<compile_context>
chip_gen: v7x
topology: tpu7x:2x2x1
jax: 0.10.2.dev20260603
libtpu: 0.0.44.dev20260713+nightly
codegen_flags: <defaults>
</compile_context>

<pallas_src>
import functools

import jax
import jax.numpy as jnp
from jax import lax
from jax.experimental import pallas as pl
from jax.experimental.pallas import tpu as pltpu
from jax.experimental.pallas import tpu_sc as plsc

NC = 2
NS = 16
NW = NC * NS
LANES = 16
K_EDGE = 80

_HI = jax.lax.Precision.HIGHEST



def _xw_body(x_ref, wt_ref, o_ref):
    o_ref[...] = jnp.dot(x_ref[...], wt_ref[...], preferred_element_type=jnp.float32,
                         precision=_HI)


def _scale_body(degp_ref, xw_ref, dinv_ref, y_ref):
    cnt = jnp.sum(degp_ref[...], axis=0)
    dinv = lax.rsqrt(cnt + 2.0)
    dinv_ref[...] = dinv[:, None]
    y_ref[...] = dinv[:, None] * xw_ref[...]


def _gi_body(acc_ref, y_ref, dinv_ref, bgcn_ref, wihT_ref, bih_ref, gi_ref):
    xs = dinv_ref[...] * (acc_ref[0] + acc_ref[1] + 2.0 * y_ref[...]) + bgcn_ref[...]
    gi_ref[...] = jnp.dot(xs, wihT_ref[...], preferred_element_type=jnp.float32,
                          precision=_HI) + bih_ref[...]


def _gru_body(gif_ref, h0_ref, whhT_ref, bhh_ref, outf_ref, hT_ref, hs_ref,
              *, bt, h, c, w):
    i = pl.program_id(0)

    @pl.when(i == 0)
    def _():
        hs_ref[...] = jnp.zeros((c, h), jnp.float32)

    whhT = whhT_ref[...]
    bhh = bhh_ref[...]
    h0v = h0_ref[...]
    row0 = lax.broadcasted_iota(jnp.int32, (c, 1), 0) == 0

    def sig(x):
        return 0.5 + 0.5 * jnp.tanh(0.5 * x)

    def step(t, hm):
        gb = gif_ref[pl.ds(t * c, c), :]
        gh = jnp.dot(hm, whhT, preferred_element_type=jnp.float32,
                     precision=_HI) + bhh
        r = sig(gb[:, :h] + gh[:, :h])
        z = sig(gb[:, h:2 * h] + gh[:, h:2 * h])
        n = jnp.tanh(gb[:, 2 * h:] + r * gh[:, 2 * h:])
        hm = n + z * (hm - n)
        gt = i * bt + t
        hm = jnp.where(jnp.logical_and(gt == w - 1, row0), h0v, hm)
        outf_ref[pl.ds(t * c, c), :] = hm
        return hm

    hm = lax.fori_loop(0, bt, step, hs_ref[...], unroll=2)
    hs_ref[...] = hm
    hT_ref[...] = hm[c - 1:c, :]



def _deg_partials(col, n, e):
    epw = e // NW
    mesh = plsc.VectorSubcoreMesh(core_axis_name="c", subcore_axis_name="s")

    @functools.partial(
        pl.kernel, mesh=mesh,
        out_type=jax.ShapeDtypeStruct((NW, n), jnp.float32),
        scratch_types=[
            pltpu.VMEM((epw,), jnp.int32),
            pltpu.VMEM((n,), jnp.float32),
        ],
        compiler_params=pltpu.CompilerParams(needs_layout_passes=False),
    )
    def k(col_hbm, out_hbm, col_v, deg_v):
        c = lax.axis_index("c")
        s = lax.axis_index("s")
        wid = s * NC + c
        pltpu.sync_copy(col_hbm.at[pl.ds(wid * epw, epw)], col_v)

        zz = jnp.zeros((LANES,), jnp.float32)

        def zbody(i, carry):
            deg_v[pl.ds(i * LANES, LANES)] = zz
            return carry

        lax.fori_loop(0, n // LANES, zbody, 0)

        ones = jnp.ones((LANES,), jnp.float32)

        def ebody(i, carry):
            idx = col_v[pl.ds(i * LANES, LANES)]
            plsc.addupdate_scatter(deg_v, [idx], ones)
            return carry

        lax.fori_loop(0, epw // LANES, ebody, 0)
        pltpu.sync_copy(deg_v, out_hbm.at[wid])

    return k(col)


def _msg_partials(y, er, zeros_nh, n, h, nb):
    mesh = plsc.VectorSubcoreMesh(core_axis_name="c", subcore_axis_name="s")

    @functools.partial(
        pl.kernel, mesh=mesh,
        out_type=jax.ShapeDtypeStruct((NC, n, h), jnp.float32),
        scratch_types=[
            pltpu.VMEM((nb, K_EDGE), jnp.int32),
            pltpu.VMEM((nb, K_EDGE), jnp.int32),
            pltpu.VMEM((K_EDGE, h), jnp.float32),
            pltpu.SemaphoreType.DMA,
            pltpu.VMEM_SHARED((n, h), jnp.float32),
        ],
        compiler_params=pltpu.CompilerParams(needs_layout_passes=False),
    )
    def k(y_hbm, er_hbm, z_hbm, out_hbm, rows_v, cols_v, buf_v, sem, acc_sh):
        c = lax.axis_index("c")
        s = lax.axis_index("s")
        wid = s * NC + c
        pltpu.sync_copy(er_hbm.at[0, wid], rows_v)
        pltpu.sync_copy(er_hbm.at[1, wid], cols_v)

        @pl.when(s == 0)
        def _():
            pltpu.sync_copy(z_hbm, acc_sh)

        plsc.subcore_barrier()

        def body(j, carry):
            pltpu.async_copy(y_hbm.at[rows_v.at[j]], buf_v, sem).wait()
            pltpu.sync_copy(buf_v, acc_sh.at[cols_v.at[j]], add=True)
            return carry

        lax.fori_loop(0, nb, body, 0)
        plsc.subcore_barrier()

        @pl.when(s == 0)
        def _():
            pltpu.sync_copy(acc_sh, out_hbm.at[c])

    return k(y, er, zeros_nh)



def kernel(basic_block, edge_index, hidden, W_gcn, b_gcn, W_ih, W_hh, b_ih, b_hh):
    n, d = basic_block.shape
    h = W_gcn.shape[0]
    e = edge_index.shape[1]
    epw = e // NW
    nb = epw // K_EDGE
    assert e % NW == 0 and epw % K_EDGE == 0 and n % LANES == 0

    bn = 1000
    grid_n = n // bn

    xw = pl.pallas_call(
        _xw_body,
        grid=(grid_n,),
        in_specs=[pl.BlockSpec((bn, d), lambda i: (i, 0)),
                  pl.BlockSpec((d, h), lambda i: (0, 0))],
        out_specs=pl.BlockSpec((bn, h), lambda i: (i, 0)),
        out_shape=jax.ShapeDtypeStruct((n, h), jnp.float32),
    )(basic_block, W_gcn.T)

    degp = _deg_partials(edge_index[1], n, e)

    dinv, y = pl.pallas_call(
        _scale_body,
        out_shape=[jax.ShapeDtypeStruct((n, 1), jnp.float32),
                   jax.ShapeDtypeStruct((n, h), jnp.float32)],
    )(degp, xw)

    er = edge_index.reshape(2, NW, nb, K_EDGE)
    acc = _msg_partials(y, er, jnp.zeros((n, h), jnp.float32), n, h, nb)

    gi = pl.pallas_call(
        _gi_body,
        grid=(grid_n,),
        in_specs=[pl.BlockSpec((NC, bn, h), lambda i: (0, i, 0)),
                  pl.BlockSpec((bn, h), lambda i: (i, 0)),
                  pl.BlockSpec((bn, 1), lambda i: (i, 0)),
                  pl.BlockSpec((1, h), lambda i: (0, 0)),
                  pl.BlockSpec((h, 3 * h), lambda i: (0, 0)),
                  pl.BlockSpec((1, 3 * h), lambda i: (0, 0))],
        out_specs=pl.BlockSpec((bn, 3 * h), lambda i: (i, 0)),
        out_shape=jax.ShapeDtypeStruct((n, 3 * h), jnp.float32),
    )(acc, y, dinv, b_gcn.reshape(1, h), W_ih.T, b_ih.reshape(1, 3 * h))

    C = 80
    W = 125
    S = n // C
    iters = S + W
    btt = 50

    gip = jnp.concatenate([jnp.zeros((W, 3 * h), jnp.float32), gi], axis=0)
    idx = jnp.arange(C)[None, :] * S + jnp.arange(iters)[:, None]
    gif = jnp.take(gip, idx.reshape(-1), axis=0)

    outf, hT = pl.pallas_call(
        functools.partial(_gru_body, bt=btt, h=h, c=C, w=W),
        grid=(iters // btt,),
        in_specs=[pl.BlockSpec((btt * C, 3 * h), lambda i: (i, 0)),
                  pl.BlockSpec((1, h), lambda i: (0, 0)),
                  pl.BlockSpec((h, 3 * h), lambda i: (0, 0)),
                  pl.BlockSpec((1, 3 * h), lambda i: (0, 0))],
        out_specs=[pl.BlockSpec((btt * C, h), lambda i: (i, 0)),
                   pl.BlockSpec((1, h), lambda i: (0, 0))],
        out_shape=[jax.ShapeDtypeStruct((iters * C, h), jnp.float32),
                   jax.ShapeDtypeStruct((1, h), jnp.float32)],
        scratch_shapes=[pltpu.VMEM((C, h), jnp.float32)],
    )(gif, hidden, W_hh.T, b_hh.reshape(1, 3 * h))

    outs = outf.reshape(iters, C, h)[W:].transpose(1, 0, 2).reshape(n, h)
    return outs, hT

# --- scband reference (transcript-rebuilt; emitter-appended) ---
"""Pipeline reference for scband-encoder-42099269435970 (READ-ONLY COPY).

The authoritative reference and input builder live on the scoring server;
editing this copy changes nothing except your own understanding.
"""

import jax, jax.numpy as jnp
import numpy as np
from jax import lax

N = 10000
E = 320000
D = 128
H = 128

def setup_inputs(seed: int = 0) -> dict:
    key = jax.random.key(seed)
    k1, k2, k3, k4, k5, k6, k7 = jax.random.split(key, 7)
    basic_block = jax.random.normal(k1, (N, D), dtype=jnp.float32)
    edge_index = jax.random.randint(k2, (2, E), 0, N, dtype=jnp.int32)
    hidden = jnp.zeros((1, H), dtype=jnp.float32)
    s_in = 1.0 / np.sqrt(D)
    s_h = 1.0 / np.sqrt(H)
    W_gcn = jax.random.uniform(k3, (H, D), dtype=jnp.float32, minval=-s_in, maxval=s_in)
    b_gcn = jnp.zeros((H,), dtype=jnp.float32)
    W_ih = jax.random.uniform(k4, (3 * H, H), dtype=jnp.float32, minval=-s_h, maxval=s_h)
    W_hh = jax.random.uniform(k5, (3 * H, H), dtype=jnp.float32, minval=-s_h, maxval=s_h)
    b_ih = jax.random.uniform(k6, (3 * H,), dtype=jnp.float32, minval=-s_h, maxval=s_h)
    b_hh = jax.random.uniform(k7, (3 * H,), dtype=jnp.float32, minval=-s_h, maxval=s_h)
    return {"basic_block": basic_block, "edge_index": edge_index, "hidden": hidden,
            "W_gcn": W_gcn, "b_gcn": b_gcn, "W_ih": W_ih, "W_hh": W_hh,
            "b_ih": b_ih, "b_hh": b_hh}

def _add_self_loops(edge_index, num_nodes):
    loop = jnp.arange(num_nodes, dtype=edge_index.dtype)
    loops = jnp.stack([loop, loop], axis=0)
    return jnp.concatenate([edge_index, loops], axis=1)

def _gcn_conv(x, edge_index, W, b):
    num_nodes = x.shape[0]
    # PyG GCNConv default gcn_norm adds self loops again internally
    ei = _add_self_loops(edge_index, num_nodes)
    row, col = ei[0], ei[1]
    ones = jnp.ones((ei.shape[1],), dtype=x.dtype)
    deg = jnp.zeros((num_nodes,), dtype=x.dtype).at[col].add(ones)
    dinv = jnp.where(deg > 0, 1.0 / jnp.sqrt(deg), 0.0)
    norm = dinv[row] * dinv[col]
    xw = x @ W.T
    msg = xw[row] * norm[:, None]
    out = jnp.zeros((num_nodes, W.shape[0]), dtype=x.dtype).at[col].add(msg)
    return out + b

def _gru(x_seq, h0, W_ih, W_hh, b_ih, b_hh):
    def step(h, x_t):
        gi = W_ih @ x_t + b_ih
        gh = W_hh @ h + b_hh
        r = jax.nn.sigmoid(gi[:H] + gh[:H])
        z = jax.nn.sigmoid(gi[H:2 * H] + gh[H:2 * H])
        n = jnp.tanh(gi[2 * H:] + r * gh[2 * H:])
        h_new = (1.0 - z) * n + z * h
        return h_new, h_new
    hT, outs = lax.scan(step, h0, x_seq)
    return outs, hT

def reference(basic_block, edge_index, hidden, W_gcn, b_gcn, W_ih, W_hh, b_ih, b_hh):
    # forward-level add_self_loops (as in the torch module)
    ei = _add_self_loops(edge_index, basic_block.shape[0])
    x = _gcn_conv(basic_block, ei, W_gcn, b_gcn)
    # unbatched GRU: input (seq_len=N, H), hidden (1, H)
    outs, hT = _gru(x, hidden[0], W_ih, W_hh, b_ih, b_hh)
    return (outs, hT[None, :])

if __name__ == "__main__":
    import jax
    _d = setup_inputs()
    print(jax.jit(kernel)(*tuple(_d.values())))

</pallas_src>

<mosaic_0001>
#map = affine_map<(d0, d1) -> (0)>
#map1 = affine_map<(d0, d1) -> (0, 0)>
module attributes {stable_mosaic.version = 14 : i64} {
  func.func @k(%arg0: i32, %arg1: i32, %arg2: memref<320000xi32, #tpu.memory_space<hbm>>, %arg3: memref<32x10000xf32, #tpu.memory_space<hbm>>, %arg4: memref<10000xi32, #tpu.memory_space<vmem>>, %arg5: memref<10000xf32, #tpu.memory_space<vmem>>) attributes {dimension_semantics = [#tpu.dimension_semantics<core_parallel>, #tpu.dimension_semantics<subcore_parallel>], iteration_bounds = array<i64: 2, 16>, scalar_prefetch = 0 : i64, scratch_operands = 2 : i64, tpu.core_type = #tpu.core_type<sc_vector_subcore>, window_params = [{transform_indices = #map}, {transform_indices = #map1}]} {
    %mul3A = arith.constant 2 : i32
    %mul3A_0 = arith.muli %arg1, %mul3A : i32
    %add3A = arith.addi %mul3A_0, %arg0 : i32
    %mul3A_1 = arith.constant 10000 : i32
    %mul3A_2 = arith.muli %add3A, %mul3A_1 : i32
    "tpu.region"() ({
      %run_scoped3A = tpu.sem_alloc : memref<!tpu.dma_semaphore, #tpu.memory_space<semaphore_mem>>
      %dma_start3A = tpu.memref_slice %arg2[%mul3A_2] : memref<320000xi32, #tpu.memory_space<hbm>> -> memref<10000xi32, #tpu.memory_space<hbm>>
      %dma_start3A_17 = tpu.memref_slice %arg2[%mul3A_2] : memref<320000xi32, #tpu.memory_space<hbm>> -> memref<10000xi32, #tpu.memory_space<hbm>>
      tpu.enqueue_dma source(%dma_start3A_17 : memref<10000xi32, #tpu.memory_space<hbm>>) target(%arg4 : memref<10000xi32, #tpu.memory_space<vmem>>) target_semaphore(%run_scoped3A : memref<!tpu.dma_semaphore, #tpu.memory_space<semaphore_mem>>)
      %dma_wait3A = tpu.memref_slice %arg2[%mul3A_2] : memref<320000xi32, #tpu.memory_space<hbm>> -> memref<10000xi32, #tpu.memory_space<hbm>>
      %dma_wait3A_18 = tpu.memref_slice %arg2[%mul3A_2] : memref<320000xi32, #tpu.memory_space<hbm>> -> memref<10000xi32, #tpu.memory_space<hbm>>
      tpu.wait_dma2 semaphore(%run_scoped3A : memref<!tpu.dma_semaphore, #tpu.memory_space<semaphore_mem>>) src(%dma_wait3A_18 : memref<10000xi32, #tpu.memory_space<hbm>>) dst(%arg4 : memref<10000xi32, #tpu.memory_space<vmem>>)
      tpu.yield
    }) : () -> ()
    %broadcast_in_dim3A = arith.constant 0.000000e+00 : f32
    %broadcast_in_dim3A_3 = vector.broadcast %broadcast_in_dim3A : f32 to vector<16xf32>
    %scan3A = arith.constant 0 : i32
    %scan3A_4 = arith.constant 0 : i32
    %scan3A_5 = arith.constant 625 : i32
    %scan3A_6 = arith.addi %scan3A_4, %scan3A_5 : i32
    %scan3A_7 = arith.constant 1 : i32
    scf.for %scan3A_17 = %scan3A_4 to %scan3A_6 step %scan3A_7  : i32 {
      %mul3A_18 = arith.constant 16 : i32
      %mul3A_19 = arith.muli %scan3A_17, %mul3A_18 : i32
      %swap3A = arith.index_cast %mul3A_19 : i32 to index
      %swap3A_20 = tpu.vector_load %arg5[%swap3A] {strides = array<i32>} : memref<10000xf32, #tpu.memory_space<vmem>>, vector<16xf32>,
      tpu.vector_store %arg5[%swap3A], %broadcast_in_dim3A_3 {strides = array<i32>} : memref<10000xf32, #tpu.memory_space<vmem>>, vector<16xf32>,
    }
    %scan3A_8 = arith.constant 625 : i32
    %broadcast_in_dim3A_9 = arith.constant 1.000000e+00 : f32
    %broadcast_in_dim3A_10 = vector.broadcast %broadcast_in_dim3A_9 : f32 to vector<16xf32>
    %scan3A_11 = arith.constant 0 : i32
    %scan3A_12 = arith.constant 0 : i32
    %scan3A_13 = arith.constant 625 : i32
    %scan3A_14 = arith.addi %scan3A_12, %scan3A_13 : i32
    %scan3A_15 = arith.constant 1 : i32
    scf.for %scan3A_17 = %scan3A_12 to %scan3A_14 step %scan3A_15  : i32 {
      %mul3A_18 = arith.constant 16 : i32
      %mul3A_19 = arith.muli %scan3A_17, %mul3A_18 : i32
      %get3A = arith.index_cast %mul3A_19 : i32 to index
      %get3A_20 = tpu.vector_load %arg4[%get3A] {strides = array<i32>} : memref<10000xi32, #tpu.memory_space<vmem>>, vector<16xi32>,
      tpu.vector_store_idx %arg5[%get3A_20], %broadcast_in_dim3A_10 {add = true} : memref<10000xf32, #tpu.memory_space<vmem>>[vector<16xi32>], vector<16xf32>,
    }
    %scan3A_16 = arith.constant 625 : i32
    "tpu.region"() ({
      %run_scoped3A = tpu.sem_alloc : memref<!tpu.dma_semaphore, #tpu.memory_space<semaphore_mem>>
      %dma_start3A = arith.constant 0 : i32
      %dma_start3A_17 = tpu.memref_slice %arg3[%add3A, %dma_start3A] : memref<32x10000xf32, #tpu.memory_space<hbm>> -> memref<1x10000xf32, #tpu.memory_space<hbm>>
      %dma_start3A_18 = tpu.memref_squeeze %dma_start3A_17 : memref<1x10000xf32, #tpu.memory_space<hbm>> -> memref<10000xf32, #tpu.memory_space<hbm>>
      %dma_start3A_19 = arith.constant 0 : i32
      %dma_start3A_20 = tpu.memref_slice %arg3[%add3A, %dma_start3A_19] : memref<32x10000xf32, #tpu.memory_space<hbm>> -> memref<1x10000xf32, #tpu.memory_space<hbm>>
      %dma_start3A_21 = tpu.memref_squeeze %dma_start3A_20 : memref<1x10000xf32, #tpu.memory_space<hbm>> -> memref<10000xf32, #tpu.memory_space<hbm>>
      tpu.enqueue_dma source(%arg5 : memref<10000xf32, #tpu.memory_space<vmem>>) target(%dma_start3A_21 : memref<10000xf32, #tpu.memory_space<hbm>>) target_semaphore(%run_scoped3A : memref<!tpu.dma_semaphore, #tpu.memory_space<semaphore_mem>>)
      %dma_wait3A = arith.constant 0 : i32
      %dma_wait3A_22 = tpu.memref_slice %arg3[%add3A, %dma_wait3A] : memref<32x10000xf32, #tpu.memory_space<hbm>> -> memref<1x10000xf32, #tpu.memory_space<hbm>>
      %dma_wait3A_23 = tpu.memref_squeeze %dma_wait3A_22 : memref<1x10000xf32, #tpu.memory_space<hbm>> -> memref<10000xf32, #tpu.memory_space<hbm>>
      %dma_wait3A_24 = arith.constant 0 : i32
      %dma_wait3A_25 = tpu.memref_slice %arg3[%add3A, %dma_wait3A_24] : memref<32x10000xf32, #tpu.memory_space<hbm>> -> memref<1x10000xf32, #tpu.memory_space<hbm>>
      %dma_wait3A_26 = tpu.memref_squeeze %dma_wait3A_25 : memref<1x10000xf32, #tpu.memory_space<hbm>> -> memref<10000xf32, #tpu.memory_space<hbm>>
      tpu.wait_dma2 semaphore(%run_scoped3A : memref<!tpu.dma_semaphore, #tpu.memory_space<semaphore_mem>>) src(%arg5 : memref<10000xf32, #tpu.memory_space<vmem>>) dst(%dma_wait3A_26 : memref<10000xf32, #tpu.memory_space<hbm>>)
      tpu.yield
    }) : () -> ()
    return
  }
}

#map = affine_map<(d0, d1) -> (0, 0)>
#map1 = affine_map<(d0, d1) -> (0, 0, 0, 0)>
#map2 = affine_map<(d0, d1) -> (0, 0, 0)>
module attributes {stable_mosaic.version = 14 : i64} {
  func.func @k(%arg0: i32, %arg1: i32, %arg2: memref<10000x128xf32, #tpu.memory_space<hbm>>, %arg3: memref<2x32x125x80xi32, #tpu.memory_space<hbm>>, %arg4: memref<10000x128xf32, #tpu.memory_space<hbm>>, %arg5: memref<2x10000x128xf32, #tpu.memory_space<hbm>>, %arg6: memref<125x80xi32, #tpu.memory_space<vmem>>, %arg7: memref<125x80xi32, #tpu.memory_space<vmem>>, %arg8: memref<80x128xf32, #tpu.memory_space<vmem>>, %arg9: memref<!tpu.dma_semaphore, #tpu.memory_space<semaphore_mem>>, %arg10: memref<10000x128xf32, #tpu.memory_space<vmem_shared>>) attributes {dimension_semantics = [#tpu.dimension_semantics<core_parallel>, #tpu.dimension_semantics<subcore_parallel>], iteration_bounds = array<i64: 2, 16>, scalar_prefetch = 0 : i64, scratch_operands = 5 : i64, tpu.core_type = #tpu.core_type<sc_vector_subcore>, window_params = [{transform_indices = #map}, {transform_indices = #map1}, {transform_indices = #map}, {transform_indices = #map2}]} {
    %mul3A = arith.constant 2 : i32
    %mul3A_0 = arith.muli %arg1, %mul3A : i32
    %add3A = arith.addi %mul3A_0, %arg0 : i32
    %run_scoped3A = arith.constant 0 : i32
    "tpu.region"() ({
      %run_scoped3A_15 = tpu.sem_alloc : memref<!tpu.dma_semaphore, #tpu.memory_space<semaphore_mem>>
      %dma_start3A = arith.constant 0 : i32
      %dma_start3A_16 = arith.constant 0 : i32
      %dma_start3A_17 = tpu.memref_slice %arg3[%run_scoped3A, %add3A, %dma_start3A, %dma_start3A_16] : memref<2x32x125x80xi32, #tpu.memory_space<hbm>> -> memref<1x1x125x80xi32, #tpu.memory_space<hbm>>
      %dma_start3A_18 = tpu.memref_squeeze %dma_start3A_17 : memref<1x1x125x80xi32, #tpu.memory_space<hbm>> -> memref<125x80xi32, #tpu.memory_space<hbm>>
      %dma_start3A_19 = arith.constant 0 : i32
      %dma_start3A_20 = arith.constant 0 : i32
      %dma_start3A_21 = tpu.memref_slice %arg3[%run_scoped3A, %add3A, %dma_start3A_19, %dma_start3A_20] : memref<2x32x125x80xi32, #tpu.memory_space<hbm>> -> memref<1x1x125x80xi32, #tpu.memory_space<hbm>>
      %dma_start3A_22 = tpu.memref_squeeze %dma_start3A_21 : memref<1x1x125x80xi32, #tpu.memory_space<hbm>> -> memref<125x80xi32, #tpu.memory_space<hbm>>
      tpu.enqueue_dma source(%dma_start3A_22 : memref<125x80xi32, #tpu.memory_space<hbm>>) target(%arg6 : memref<125x80xi32, #tpu.memory_space<vmem>>) target_semaphore(%run_scoped3A_15 : memref<!tpu.dma_semaphore, #tpu.memory_space<semaphore_mem>>)
      %dma_wait3A = arith.constant 0 : i32
      %dma_wait3A_23 = arith.constant 0 : i32
      %dma_wait3A_24 = tpu.memref_slice %arg3[%run_scoped3A, %add3A, %dma_wait3A, %dma_wait3A_23] : memref<2x32x125x80xi32, #tpu.memory_space<hbm>> -> memref<1x1x125x80xi32, #tpu.memory_space<hbm>>
      %dma_wait3A_25 = tpu.memref_squeeze %dma_wait3A_24 : memref<1x1x125x80xi32, #tpu.memory_space<hbm>> -> memref<125x80xi32, #tpu.memory_space<hbm>>
      %dma_wait3A_26 = arith.constant 0 : i32
      %dma_wait3A_27 = arith.constant 0 : i32
      %dma_wait3A_28 = tpu.memref_slice %arg3[%run_scoped3A, %add3A, %dma_wait3A_26, %dma_wait3A_27] : memref<2x32x125x80xi32, #tpu.memory_space<hbm>> -> memref<1x1x125x80xi32, #tpu.memory_space<hbm>>
      %dma_wait3A_29 = tpu.memref_squeeze %dma_wait3A_28 : memref<1x1x125x80xi32, #tpu.memory_space<hbm>> -> memref<125x80xi32, #tpu.memory_space<hbm>>
      tpu.wait_dma2 semaphore(%run_scoped3A_15 : memref<!tpu.dma_semaphore, #tpu.memory_space<semaphore_mem>>) src(%dma_wait3A_29 : memref<125x80xi32, #tpu.memory_space<hbm>>) dst(%arg6 : memref<125x80xi32, #tpu.memory_space<vmem>>)
      tpu.yield
    }) : () -> ()
    %run_scoped3A_1 = arith.constant 1 : i32
    "tpu.region"() ({
      %run_scoped3A_15 = tpu.sem_alloc : memref<!tpu.dma_semaphore, #tpu.memory_space<semaphore_mem>>
      %dma_start3A = arith.constant 0 : i32
      %dma_start3A_16 = arith.constant 0 : i32
      %dma_start3A_17 = tpu.memref_slice %arg3[%run_scoped3A_1, %add3A, %dma_start3A, %dma_start3A_16] : memref<2x32x125x80xi32, #tpu.memory_space<hbm>> -> memref<1x1x125x80xi32, #tpu.memory_space<hbm>>
      %dma_start3A_18 = tpu.memref_squeeze %dma_start3A_17 : memref<1x1x125x80xi32, #tpu.memory_space<hbm>> -> memref<125x80xi32, #tpu.memory_space<hbm>>
      %dma_start3A_19 = arith.constant 0 : i32
      %dma_start3A_20 = arith.constant 0 : i32
      %dma_start3A_21 = tpu.memref_slice %arg3[%run_scoped3A_1, %add3A, %dma_start3A_19, %dma_start3A_20] : memref<2x32x125x80xi32, #tpu.memory_space<hbm>> -> memref<1x1x125x80xi32, #tpu.memory_space<hbm>>
      %dma_start3A_22 = tpu.memref_squeeze %dma_start3A_21 : memref<1x1x125x80xi32, #tpu.memory_space<hbm>> -> memref<125x80xi32, #tpu.memory_space<hbm>>
      tpu.enqueue_dma source(%dma_start3A_22 : memref<125x80xi32, #tpu.memory_space<hbm>>) target(%arg7 : memref<125x80xi32, #tpu.memory_space<vmem>>) target_semaphore(%run_scoped3A_15 : memref<!tpu.dma_semaphore, #tpu.memory_space<semaphore_mem>>)
      %dma_wait3A = arith.constant 0 : i32
      %dma_wait3A_23 = arith.constant 0 : i32
      %dma_wait3A_24 = tpu.memref_slice %arg3[%run_scoped3A_1, %add3A, %dma_wait3A, %dma_wait3A_23] : memref<2x32x125x80xi32, #tpu.memory_space<hbm>> -> memref<1x1x125x80xi32, #tpu.memory_space<hbm>>
      %dma_wait3A_25 = tpu.memref_squeeze %dma_wait3A_24 : memref<1x1x125x80xi32, #tpu.memory_space<hbm>> -> memref<125x80xi32, #tpu.memory_space<hbm>>
      %dma_wait3A_26 = arith.constant 0 : i32
      %dma_wait3A_27 = arith.constant 0 : i32
      %dma_wait3A_28 = tpu.memref_slice %arg3[%run_scoped3A_1, %add3A, %dma_wait3A_26, %dma_wait3A_27] : memref<2x32x125x80xi32, #tpu.memory_space<hbm>> -> memref<1x1x125x80xi32, #tpu.memory_space<hbm>>
      %dma_wait3A_29 = tpu.memref_squeeze %dma_wait3A_28 : memref<1x1x125x80xi32, #tpu.memory_space<hbm>> -> memref<125x80xi32, #tpu.memory_space<hbm>>
      tpu.wait_dma2 semaphore(%run_scoped3A_15 : memref<!tpu.dma_semaphore, #tpu.memory_space<semaphore_mem>>) src(%dma_wait3A_29 : memref<125x80xi32, #tpu.memory_space<hbm>>) dst(%arg7 : memref<125x80xi32, #tpu.memory_space<vmem>>)
      tpu.yield
    }) : () -> ()
    %eq3A = arith.constant 0 : i32
    %eq3A_2 = arith.cmpi eq, %arg1, %eq3A : i32
    %convert_element_type3A = arith.extui %eq3A_2 : i1 to i32
    %cond3A = arith.constant 0 : i32
    %cond3A_3 = arith.cmpi ne, %convert_element_type3A, %cond3A : i32
    scf.if %cond3A_3 {
      "tpu.region"() ({
        %run_scoped3A_15 = tpu.sem_alloc : memref<!tpu.dma_semaphore, #tpu.memory_space<semaphore_mem>>
        tpu.enqueue_dma source(%arg4 : memref<10000x128xf32, #tpu.memory_space<hbm>>) target(%arg10 : memref<10000x128xf32, #tpu.memory_space<vmem_shared>>) target_semaphore(%run_scoped3A_15 : memref<!tpu.dma_semaphore, #tpu.memory_space<semaphore_mem>>)
        tpu.wait_dma2 semaphore(%run_scoped3A_15 : memref<!tpu.dma_semaphore, #tpu.memory_space<semaphore_mem>>) src(%arg4 : memref<10000x128xf32, #tpu.memory_space<hbm>>) dst(%arg10 : memref<10000x128xf32, #tpu.memory_space<vmem_shared>>)
        tpu.yield
      }) : () -> ()
    } else {
    }
    %barrier3A = arith.constant 0 : index
    tpu.barrier barrier_id(%barrier3A)
    %scan3A = arith.constant 0 : i32
    %scan3A_4 = arith.constant 0 : i32
    %scan3A_5 = arith.constant 125 : i32
    %scan3A_6 = arith.addi %scan3A_4, %scan3A_5 : i32
    %scan3A_7 = arith.constant 1 : i32
    scf.for %scan3A_15 = %scan3A_4 to %scan3A_6 step %scan3A_7  : i32 {
      %dma_start3A = arith.constant 0 : i32
      %dma_start3A_16 = tpu.memref_slice %arg6[%scan3A_15, %dma_start3A] : memref<125x80xi32, #tpu.memory_space<vmem>> -> memref<1x80xi32, #tpu.memory_space<vmem>>
      %dma_start3A_17 = tpu.memref_squeeze %dma_start3A_16 : memref<1x80xi32, #tpu.memory_space<vmem>> -> memref<80xi32, #tpu.memory_space<vmem>>
      %dma_start3A_18 = arith.constant 0 : i32
      %dma_start3A_19 = arith.constant 0 : i32
      %dma_start3A_20 = tpu.memref_slice %arg2[%dma_start3A_18, %dma_start3A_19] : memref<10000x128xf32, #tpu.memory_space<hbm>> -> memref<10000x128xf32, #tpu.memory_space<hbm>>
      tpu.enqueue_indirect_dma source(%dma_start3A_20 : memref<10000x128xf32, #tpu.memory_space<hbm>>) target(%arg8 : memref<80x128xf32, #tpu.memory_space<vmem>>) offsets(%dma_start3A_17 : memref<80xi32, #tpu.memory_space<vmem>>) semaphore(%arg9 : memref<!tpu.dma_semaphore, #tpu.memory_space<semaphore_mem>>)
      %dma_wait3A = arith.constant 0 : i32
      %dma_wait3A_21 = tpu.memref_slice %arg6[%scan3A_15, %dma_wait3A] : memref<125x80xi32, #tpu.memory_space<vmem>> -> memref<1x80xi32, #tpu.memory_space<vmem>>
      %dma_wait3A_22 = tpu.memref_squeeze %dma_wait3A_21 : memref<1x80xi32, #tpu.memory_space<vmem>> -> memref<80xi32, #tpu.memory_space<vmem>>
      %dma_wait3A_23 = arith.constant 0 : i32
      %dma_wait3A_24 = arith.constant 0 : i32
      %dma_wait3A_25 = tpu.memref_slice %arg2[%dma_wait3A_23, %dma_wait3A_24] : memref<10000x128xf32, #tpu.memory_space<hbm>> -> memref<10000x128xf32, #tpu.memory_space<hbm>>
      tpu.wait_indirect_dma semaphore(%arg9 : memref<!tpu.dma_semaphore, #tpu.memory_space<semaphore_mem>>) src(%dma_wait3A_25 : memref<10000x128xf32, #tpu.memory_space<hbm>>) dst(%arg8 : memref<80x128xf32, #tpu.memory_space<vmem>>)
      "tpu.region"() ({
        %run_scoped3A_26 = tpu.sem_alloc : memref<!tpu.dma_semaphore, #tpu.memory_space<semaphore_mem>>
        %dma_start3A_27 = arith.constant 0 : i32
        %dma_start3A_28 = tpu.memref_slice %arg7[%scan3A_15, %dma_start3A_27] : memref<125x80xi32, #tpu.memory_space<vmem>> -> memref<1x80xi32, #tpu.memory_space<vmem>>
        %dma_start3A_29 = tpu.memref_squeeze %dma_start3A_28 : memref<1x80xi32, #tpu.memory_space<vmem>> -> memref<80xi32, #tpu.memory_space<vmem>>
        %dma_start3A_30 = arith.constant 0 : i32
        %dma_start3A_31 = arith.constant 0 : i32
        %dma_start3A_32 = tpu.memref_slice %arg10[%dma_start3A_30, %dma_start3A_31] : memref<10000x128xf32, #tpu.memory_space<vmem_shared>> -> memref<10000x128xf32, #tpu.memory_space<vmem_shared>>
        tpu.enqueue_indirect_dma source(%arg8 : memref<80x128xf32, #tpu.memory_space<vmem>>) target(%dma_start3A_32 : memref<10000x128xf32, #tpu.memory_space<vmem_shared>>) offsets(%dma_start3A_29 : memref<80xi32, #tpu.memory_space<vmem>>) semaphore(%run_scoped3A_26 : memref<!tpu.dma_semaphore, #tpu.memory_space<semaphore_mem>>) {add = true}
        %dma_wait3A_33 = arith.constant 0 : i32
        %dma_wait3A_34 = tpu.memref_slice %arg7[%scan3A_15, %dma_wait3A_33] : memref<125x80xi32, #tpu.memory_space<vmem>> -> memref<1x80xi32, #tpu.memory_space<vmem>>
        %dma_wait3A_35 = tpu.memref_squeeze %dma_wait3A_34 : memref<1x80xi32, #tpu.memory_space<vmem>> -> memref<80xi32, #tpu.memory_space<vmem>>
        %dma_wait3A_36 = arith.constant 0 : i32
        %dma_wait3A_37 = arith.constant 0 : i32
        %dma_wait3A_38 = tpu.memref_slice %arg10[%dma_wait3A_36, %dma_wait3A_37] : memref<10000x128xf32, #tpu.memory_space<vmem_shared>> -> memref<10000x128xf32, #tpu.memory_space<vmem_shared>>
        tpu.wait_indirect_dma semaphore(%run_scoped3A_26 : memref<!tpu.dma_semaphore, #tpu.memory_space<semaphore_mem>>) src(%arg8 : memref<80x128xf32, #tpu.memory_space<vmem>>) dst(%dma_wait3A_38 : memref<10000x128xf32, #tpu.memory_space<vmem_shared>>)
        tpu.yield
      }) : () -> ()
    }
    %scan3A_8 = arith.constant 125 : i32
    %barrier3A_9 = arith.constant 0 : index
    tpu.barrier barrier_id(%barrier3A_9)
    %eq3A_10 = arith.constant 0 : i32
    %eq3A_11 = arith.cmpi eq, %arg1, %eq3A_10 : i32
    %convert_element_type3A_12 = arith.extui %eq3A_11 : i1 to i32
    %cond3A_13 = arith.constant 0 : i32
    %cond3A_14 = arith.cmpi ne, %convert_element_type3A_12, %cond3A_13 : i32
    scf.if %cond3A_14 {
      "tpu.region"() ({
        %run_scoped3A_15 = tpu.sem_alloc : memref<!tpu.dma_semaphore, #tpu.memory_space<semaphore_mem>>
        %dma_start3A = arith.constant 0 : i32
        %dma_start3A_16 = arith.constant 0 : i32
        %dma_start3A_17 = tpu.memref_slice %arg5[%arg0, %dma_start3A, %dma_start3A_16] : memref<2x10000x128xf32, #tpu.memory_space<hbm>> -> memref<1x10000x128xf32, #tpu.memory_space<hbm>>
        %dma_start3A_18 = tpu.memref_squeeze %dma_start3A_17 : memref<1x10000x128xf32, #tpu.memory_space<hbm>> -> memref<10000x128xf32, #tpu.memory_space<hbm>>
        tpu.enqueue_dma source(%arg10 : memref<10000x128xf32, #tpu.memory_space<vmem_shared>>) target(%dma_start3A_18 : memref<10000x128xf32, #tpu.memory_space<hbm>>) target_semaphore(%run_scoped3A_15 : memref<!tpu.dma_semaphore, #tpu.memory_space<semaphore_mem>>)
        %dma_wait3A = arith.constant 0 : i32
        %dma_wait3A_19 = arith.constant 0 : i32
        %dma_wait3A_20 = tpu.memref_slice %arg5[%arg0, %dma_wait3A, %dma_wait3A_19] : memref<2x10000x128xf32, #tpu.memory_space<hbm>> -> memref<1x10000x128xf32, #tpu.memory_space<hbm>>
        %dma_wait3A_21 = tpu.memref_squeeze %dma_wait3A_20 : memref<1x10000x128xf32, #tpu.memory_space<hbm>> -> memref<10000x128xf32, #tpu.memory_space<hbm>>
        tpu.wait_dma2 semaphore(%run_scoped3A_15 : memref<!tpu.dma_semaphore, #tpu.memory_space<semaphore_mem>>) src(%arg10 : memref<10000x128xf32, #tpu.memory_space<vmem_shared>>) dst(%dma_wait3A_21 : memref<10000x128xf32, #tpu.memory_space<hbm>>)
        tpu.yield
      }) : () -> ()
    } else {
    }
    return
  }
}

module attributes {stable_mosaic.version = 14 : i64} {
  func.func @_scale_body(%arg0: memref<32x10000xf32, #tpu.memory_space<vmem>>, %arg1: memref<10000x128xf32, #tpu.memory_space<vmem>>, %arg2: memref<10000x1xf32, #tpu.memory_space<vmem>>, %arg3: memref<10000x128xf32, #tpu.memory_space<vmem>>) attributes {dimension_semantics = [], scalar_prefetch = 0 : i64, scratch_operands = 0 : i64, tpu.core_type = #tpu.core_type<tc>} {
    %get3A = arith.constant 0 : index
    %get3A_0 = arith.constant 0 : index
    %get3A_1 = vector.load %arg0[%get3A, %get3A_0] : memref<32x10000xf32, #tpu.memory_space<vmem>>, vector<32x10000xf32>
    %reduce_sum3A = arith.constant dense<0.000000e+00> : vector<10000xf32>
    %reduce_sum3A_2 = vector.multi_reduction <add>, %get3A_1, %reduce_sum3A [0] : vector<32x10000xf32> to vector<10000xf32>
    %add3A = arith.constant 2.000000e+00 : f32
    %add3A_3 = vector.broadcast %add3A : f32 to vector<10000xf32>
    %add3A_4 = arith.addf %reduce_sum3A_2, %add3A_3 : vector<10000xf32>
    %rsqrt3A = math.rsqrt %add3A_4 : vector<10000xf32>
    %broadcast_in_dim3A = vector.shape_cast %rsqrt3A : vector<10000xf32> to vector<10000x1xf32>
    %swap3A = arith.constant 0 : index
    %swap3A_5 = arith.constant 0 : index
    %swap3A_6 = vector.load %arg2[%swap3A, %swap3A_5] : memref<10000x1xf32, #tpu.memory_space<vmem>>, vector<10000x1xf32>
    tpu.vector_store %arg2[%swap3A, %swap3A_5], %broadcast_in_dim3A {strides = array<i32>} : memref<10000x1xf32, #tpu.memory_space<vmem>>, vector<10000x1xf32>,
    %broadcast_in_dim3A_7 = vector.shape_cast %rsqrt3A : vector<10000xf32> to vector<10000x1xf32>
    %get3A_8 = arith.constant 0 : index
    %get3A_9 = arith.constant 0 : index
    %get3A_10 = vector.load %arg1[%get3A_8, %get3A_9] : memref<10000x128xf32, #tpu.memory_space<vmem>>, vector<10000x128xf32>
    %mul3A = vector.broadcast %broadcast_in_dim3A_7 : vector<10000x1xf32> to vector<10000x128xf32>
    %mul3A_11 = arith.mulf %mul3A, %get3A_10 : vector<10000x128xf32>
    %swap3A_12 = arith.constant 0 : index
    %swap3A_13 = arith.constant 0 : index
    %swap3A_14 = vector.load %arg3[%swap3A_12, %swap3A_13] : memref<10000x128xf32, #tpu.memory_space<vmem>>, vector<10000x128xf32>
    tpu.vector_store %arg3[%swap3A_12, %swap3A_13], %mul3A_11 {strides = array<i32>} : memref<10000x128xf32, #tpu.memory_space<vmem>>, vector<10000x128xf32>,
    return
  }
}

module attributes {stable_mosaic.version = 14 : i64} {
  func.func @_xw_body(%arg0: i32, %arg1: memref<1000x128xf32, #tpu.memory_space<vmem>>, %arg2: memref<128x128xf32, #tpu.memory_space<vmem>>, %arg3: memref<1000x128xf32, #tpu.memory_space<vmem>>) attributes {dimension_semantics = [#tpu.dimension_semantics<arbitrary>], iteration_bounds = array<i64: 10>, scalar_prefetch = 0 : i64, scratch_operands = 0 : i64, tpu.core_type = #tpu.core_type<tc>, window_params = [{transform_indices = @transform_0, window_bounds = array<i64: 1000, 128>}, {pipeline_mode = #tpu.pipeline_mode<synchronous>, transform_indices = @transform_1, window_bounds = array<i64: 128, 128>}, {transform_indices = @transform_2, window_bounds = array<i64: 1000, 128>}]} {
    %get3A = arith.constant 0 : index
    %get3A_0 = arith.constant 0 : index
    %get3A_1 = vector.load %arg1[%get3A, %get3A_0] : memref<1000x128xf32, #tpu.memory_space<vmem>>, vector<1000x128xf32>
    %get3A_2 = arith.constant 0 : index
    %get3A_3 = arith.constant 0 : index
    %get3A_4 = vector.load %arg2[%get3A_2, %get3A_3] : memref<128x128xf32, #tpu.memory_space<vmem>>, vector<128x128xf32>
    %dot_general3A = arith.constant dense<0.000000e+00> : vector<1000x128xf32>
    %dot_general3A_5 = tpu.matmul %get3A_1, %get3A_4, %dot_general3A {dimension_numbers = #tpu.dot_dimension_numbers<[1], [0], [0], [1], [0, 0, 1, 1], [], []>, precision = #tpu.contract_precision<fp32>, transpose_lhs_hint = false} : vector<1000x128xf32>, vector<128x128xf32>, vector<1000x128xf32> -> vector<1000x128xf32>
    %swap3A = arith.constant 0 : index
    %swap3A_6 = arith.constant 0 : index
    %swap3A_7 = vector.load %arg3[%swap3A, %swap3A_6] : memref<1000x128xf32, #tpu.memory_space<vmem>>, vector<1000x128xf32>
    tpu.vector_store %arg3[%swap3A, %swap3A_6], %dot_general3A_5 {strides = array<i32>} : memref<1000x128xf32, #tpu.memory_space<vmem>>, vector<1000x128xf32>,
    return
  }
  func.func @transform_0(%arg0: i32) -> (i32, i32) {
    %c0_i32 = arith.constant 0 : i32
    %c0_i32_0 = arith.constant 0 : i32
    return %arg0, %c0_i32 : i32, i32
  }
  func.func @transform_1(%arg0: i32) -> (i32, i32) {
    %c0_i32 = arith.constant 0 : i32
    %c0_i32_0 = arith.constant 0 : i32
    %c0_i32_1 = arith.constant 0 : i32
    return %c0_i32, %c0_i32_0 : i32, i32
  }
  func.func @transform_2(%arg0: i32) -> (i32, i32) {
    %c0_i32 = arith.constant 0 : i32
    %c0_i32_0 = arith.constant 0 : i32
    return %arg0, %c0_i32 : i32, i32
  }
}

module attributes {stable_mosaic.version = 14 : i64} {
  func.func @_gi_body(%arg0: i32, %arg1: memref<2x1000x128xf32, #tpu.memory_space<vmem>>, %arg2: memref<1000x128xf32, #tpu.memory_space<vmem>>, %arg3: memref<1000x1xf32, #tpu.memory_space<vmem>>, %arg4: memref<1x128xf32, #tpu.memory_space<vmem>>, %arg5: memref<128x384xf32, #tpu.memory_space<vmem>>, %arg6: memref<1x384xf32, #tpu.memory_space<vmem>>, %arg7: memref<1000x384xf32, #tpu.memory_space<vmem>>) attributes {dimension_semantics = [#tpu.dimension_semantics<arbitrary>], iteration_bounds = array<i64: 10>, scalar_prefetch = 0 : i64, scratch_operands = 0 : i64, tpu.core_type = #tpu.core_type<tc>, window_params = [{transform_indices = @transform_0, window_bounds = array<i64: 2, 1000, 128>}, {transform_indices = @transform_1, window_bounds = array<i64: 1000, 128>}, {transform_indices = @transform_2, window_bounds = array<i64: 1000, 1>}, {pipeline_mode = #tpu.pipeline_mode<synchronous>, transform_indices = @transform_3, window_bounds = array<i64: 1, 128>}, {pipeline_mode = #tpu.pipeline_mode<synchronous>, transform_indices = @transform_4, window_bounds = array<i64: 128, 384>}, {pipeline_mode = #tpu.pipeline_mode<synchronous>, transform_indices = @transform_5, window_bounds = array<i64: 1, 384>}, {transform_indices = @transform_6, window_bounds = array<i64: 1000, 384>}]} {
    %get3A = arith.constant 0 : index
    %get3A_0 = arith.constant 0 : index
    %get3A_1 = vector.load %arg3[%get3A, %get3A_0] : memref<1000x1xf32, #tpu.memory_space<vmem>>, vector<1000x1xf32>
    %get3A_2 = arith.constant 0 : index
    %get3A_3 = arith.constant 0 : index
    %get3A_4 = arith.constant 0 : index
    %get3A_5 = vector.load %arg1[%get3A_2, %get3A_3, %get3A_4] : memref<2x1000x128xf32, #tpu.memory_space<vmem>>, vector<1x1000x128xf32>
    %get3A_6 = vector.shape_cast %get3A_5 : vector<1x1000x128xf32> to vector<1000x128xf32>
    %get3A_7 = arith.constant 1 : index
    %get3A_8 = arith.constant 0 : index
    %get3A_9 = arith.constant 0 : index
    %get3A_10 = vector.load %arg1[%get3A_7, %get3A_8, %get3A_9] : memref<2x1000x128xf32, #tpu.memory_space<vmem>>, vector<1x1000x128xf32>
    %get3A_11 = vector.shape_cast %get3A_10 : vector<1x1000x128xf32> to vector<1000x128xf32>
    %add3A = arith.addf %get3A_6, %get3A_11 : vector<1000x128xf32>
    %get3A_12 = arith.constant 0 : index
    %get3A_13 = arith.constant 0 : index
    %get3A_14 = vector.load %arg2[%get3A_12, %get3A_13] : memref<1000x128xf32, #tpu.memory_space<vmem>>, vector<1000x128xf32>
    %mul3A = arith.constant 2.000000e+00 : f32
    %mul3A_15 = vector.broadcast %mul3A : f32 to vector<1000x128xf32>
    %mul3A_16 = arith.mulf %mul3A_15, %get3A_14 : vector<1000x128xf32>
    %add3A_17 = arith.addf %add3A, %mul3A_16 : vector<1000x128xf32>
    %mul3A_18 = vector.broadcast %get3A_1 : vector<1000x1xf32> to vector<1000x128xf32>
    %mul3A_19 = arith.mulf %mul3A_18, %add3A_17 : vector<1000x128xf32>
    %get3A_20 = arith.constant 0 : index
    %get3A_21 = arith.constant 0 : index
    %get3A_22 = vector.load %arg4[%get3A_20, %get3A_21] : memref<1x128xf32, #tpu.memory_space<vmem>>, vector<1x128xf32>
    %add3A_23 = vector.broadcast %get3A_22 : vector<1x128xf32> to vector<1000x128xf32>
    %add3A_24 = arith.addf %mul3A_19, %add3A_23 : vector<1000x128xf32>
    %get3A_25 = arith.constant 0 : index
    %get3A_26 = arith.constant 0 : index
    %get3A_27 = vector.load %arg5[%get3A_25, %get3A_26] : memref<128x384xf32, #tpu.memory_space<vmem>>, vector<128x384xf32>
    %dot_general3A = arith.constant dense<0.000000e+00> : vector<1000x384xf32>
    %dot_general3A_28 = tpu.matmul %add3A_24, %get3A_27, %dot_general3A {dimension_numbers = #tpu.dot_dimension_numbers<[1], [0], [0], [1], [0, 0, 1, 1], [], []>, precision = #tpu.contract_precision<fp32>, transpose_lhs_hint = false} : vector<1000x128xf32>, vector<128x384xf32>, vector<1000x384xf32> -> vector<1000x384xf32>
    %get3A_29 = arith.constant 0 : index
    %get3A_30 = arith.constant 0 : index
    %get3A_31 = vector.load %arg6[%get3A_29, %get3A_30] : memref<1x384xf32, #tpu.memory_space<vmem>>, vector<1x384xf32>
    %add3A_32 = vector.broadcast %get3A_31 : vector<1x384xf32> to vector<1000x384xf32>
    %add3A_33 = arith.addf %dot_general3A_28, %add3A_32 : vector<1000x384xf32>
    %swap3A = arith.constant 0 : index
    %swap3A_34 = arith.constant 0 : index
    %swap3A_35 = vector.load %arg7[%swap3A, %swap3A_34] : memref<1000x384xf32, #tpu.memory_space<vmem>>, vector<1000x384xf32>
    tpu.vector_store %arg7[%swap3A, %swap3A_34], %add3A_33 {strides = array<i32>} : memref<1000x384xf32, #tpu.memory_space<vmem>>, vector<1000x384xf32>,
    return
  }
  func.func @transform_0(%arg0: i32) -> (i32, i32, i32) {
    %c0_i32 = arith.constant 0 : i32
    %c0_i32_0 = arith.constant 0 : i32
    %c0_i32_1 = arith.constant 0 : i32
    return %c0_i32, %arg0, %c0_i32_0 : i32, i32, i32
  }
  func.func @transform_1(%arg0: i32) -> (i32, i32) {
    %c0_i32 = arith.constant 0 : i32
    %c0_i32_0 = arith.constant 0 : i32
    return %arg0, %c0_i32 : i32, i32
  }
  func.func @transform_2(%arg0: i32) -> (i32, i32) {
    %c0_i32 = arith.constant 0 : i32
    %c0_i32_0 = arith.constant 0 : i32
    return %arg0, %c0_i32 : i32, i32
  }
  func.func @transform_3(%arg0: i32) -> (i32, i32) {
    %c0_i32 = arith.constant 0 : i32
    %c0_i32_0 = arith.constant 0 : i32
    %c0_i32_1 = arith.constant 0 : i32
    return %c0_i32, %c0_i32_0 : i32, i32
  }
  func.func @transform_4(%arg0: i32) -> (i32, i32) {
    %c0_i32 = arith.constant 0 : i32
    %c0_i32_0 = arith.constant 0 : i32
    %c0_i32_1 = arith.constant 0 : i32
    return %c0_i32, %c0_i32_0 : i32, i32
  }
  func.func @transform_5(%arg0: i32) -> (i32, i32) {
    %c0_i32 = arith.constant 0 : i32
    %c0_i32_0 = arith.constant 0 : i32
    %c0_i32_1 = arith.constant 0 : i32
    return %c0_i32, %c0_i32_0 : i32, i32
  }
  func.func @transform_6(%arg0: i32) -> (i32, i32) {
    %c0_i32 = arith.constant 0 : i32
    %c0_i32_0 = arith.constant 0 : i32
    return %arg0, %c0_i32 : i32, i32
  }
}

module attributes {stable_mosaic.version = 14 : i64} {
  func.func @_gru_body(%arg0: i32, %arg1: memref<4000x384xf32, #tpu.memory_space<vmem>>, %arg2: memref<1x128xf32, #tpu.memory_space<vmem>>, %arg3: memref<128x384xf32, #tpu.memory_space<vmem>>, %arg4: memref<1x384xf32, #tpu.memory_space<vmem>>, %arg5: memref<4000x128xf32, #tpu.memory_space<vmem>>, %arg6: memref<1x128xf32, #tpu.memory_space<vmem>>, %arg7: memref<80x128xf32, #tpu.memory_space<vmem>>) attributes {dimension_semantics = [#tpu.dimension_semantics<arbitrary>], iteration_bounds = array<i64: 5>, scalar_prefetch = 0 : i64, scratch_operands = 1 : i64, tpu.core_type = #tpu.core_type<tc>, window_params = [{transform_indices = @transform_0, window_bounds = array<i64: 4000, 384>}, {pipeline_mode = #tpu.pipeline_mode<synchronous>, transform_indices = @transform_1, window_bounds = array<i64: 1, 128>}, {pipeline_mode = #tpu.pipeline_mode<synchronous>, transform_indices = @transform_2, window_bounds = array<i64: 128, 384>}, {pipeline_mode = #tpu.pipeline_mode<synchronous>, transform_indices = @transform_3, window_bounds = array<i64: 1, 384>}, {transform_indices = @transform_4, window_bounds = array<i64: 4000, 128>}, {pipeline_mode = #tpu.pipeline_mode<synchronous>, transform_indices = @transform_5, window_bounds = array<i64: 1, 128>}]} {
    %eq3A = arith.constant 0 : i32
    %eq3A_0 = arith.cmpi eq, %arg0, %eq3A : i32
    %convert_element_type3A = arith.extui %eq3A_0 : i1 to i32
    %cond3A = arith.constant 0 : i32
    %cond3A_1 = arith.cmpi ne, %convert_element_type3A, %cond3A : i32
    scf.if %cond3A_1 {
      %broadcast_in_dim3A = arith.constant 0.000000e+00 : f32
      %broadcast_in_dim3A_26 = vector.broadcast %broadcast_in_dim3A : f32 to vector<80x128xf32>
      %swap3A_27 = arith.constant 0 : index
      %swap3A_28 = arith.constant 0 : index
      %swap3A_29 = vector.load %arg7[%swap3A_27, %swap3A_28] : memref<80x128xf32, #tpu.memory_space<vmem>>, vector<80x128xf32>
      tpu.vector_store %arg7[%swap3A_27, %swap3A_28], %broadcast_in_dim3A_26 {strides = array<i32>} : memref<80x128xf32, #tpu.memory_space<vmem>>, vector<80x128xf32>,
    } else {
    }
    %get3A = arith.constant 0 : index
    %get3A_2 = arith.constant 0 : index
    %get3A_3 = vector.load %arg3[%get3A, %get3A_2] : memref<128x384xf32, #tpu.memory_space<vmem>>, vector<128x384xf32>
    %get3A_4 = arith.constant 0 : index
    %get3A_5 = arith.constant 0 : index
    %get3A_6 = vector.load %arg4[%get3A_4, %get3A_5] : memref<1x384xf32, #tpu.memory_space<vmem>>, vector<1x384xf32>
    %get3A_7 = arith.constant 0 : index
    %get3A_8 = arith.constant 0 : index
    %get3A_9 = vector.load %arg2[%get3A_7, %get3A_8] : memref<1x128xf32, #tpu.memory_space<vmem>>, vector<1x128xf32>
    %iota3A = tpu.iota {dimensions = array<i32: 0>} : vector<80x1xi32>
    %eq3A_10 = arith.constant 0 : i32
    %eq3A_11 = vector.broadcast %eq3A_10 : i32 to vector<80x1xi32>
    %eq3A_12 = arith.cmpi eq, %iota3A, %eq3A_11 : vector<80x1xi32>
    %get3A_13 = arith.constant 0 : index
    %get3A_14 = arith.constant 0 : index
    %get3A_15 = vector.load %arg7[%get3A_13, %get3A_14] : memref<80x128xf32, #tpu.memory_space<vmem>>, vector<80x128xf32>
    %scan3A = arith.constant 0 : i32
    %scan3A_16 = arith.constant 50 : i32
    %scan3A_17 = arith.addi %scan3A, %scan3A_16 : i32
    %scan3A_18 = arith.constant 2 : i32
    %scan3A_19 = scf.for %scan3A_26 = %scan3A to %scan3A_17 step %scan3A_18 iter_args(%scan3A_27 = %get3A_15) -> (vector<80x128xf32>)  : i32 {
      %mul3A = arith.constant 80 : i32
      %mul3A_28 = arith.muli %scan3A_26, %mul3A : i32
      %get3A_29 = arith.index_cast %mul3A_28 : i32 to index
      %get3A_30 = arith.constant 0 : index
      %get3A_31 = vector.load %arg1[%get3A_29, %get3A_30] : memref<4000x384xf32, #tpu.memory_space<vmem>>, vector<80x384xf32>
      %dot_general3A = arith.constant dense<0.000000e+00> : vector<80x384xf32>
      %dot_general3A_32 = tpu.matmul %scan3A_27, %get3A_3, %dot_general3A {dimension_numbers = #tpu.dot_dimension_numbers<[1], [0], [0], [1], [0, 0, 1, 1], [], []>, precision = #tpu.contract_precision<fp32>, transpose_lhs_hint = false} : vector<80x128xf32>, vector<128x384xf32>, vector<80x384xf32> -> vector<80x384xf32>
      %add3A = vector.broadcast %get3A_6 : vector<1x384xf32> to vector<80x384xf32>
      %add3A_33 = arith.addf %dot_general3A_32, %add3A : vector<80x384xf32>
      %slice3A_34 = vector.extract_strided_slice %get3A_31 {offsets = [0, 0], sizes = [80, 128], strides = [1, 1]} : vector<80x384xf32> to vector<80x128xf32>
      %slice3A_35 = vector.extract_strided_slice %add3A_33 {offsets = [0, 0], sizes = [80, 128], strides = [1, 1]} : vector<80x384xf32> to vector<80x128xf32>
      %add3A_36 = arith.addf %slice3A_34, %slice3A_35 : vector<80x128xf32>
      %mul3A_37 = arith.constant 5.000000e-01 : f32
      %mul3A_38 = vector.broadcast %mul3A_37 : f32 to vector<80x128xf32>
      %mul3A_39 = arith.mulf %mul3A_38, %add3A_36 : vector<80x128xf32>
      %tanh3A = math.tanh %mul3A_39 : vector<80x128xf32>
      %mul3A_40 = arith.constant 5.000000e-01 : f32
      %mul3A_41 = vector.broadcast %mul3A_40 : f32 to vector<80x128xf32>
      %mul3A_42 = arith.mulf %mul3A_41, %tanh3A : vector<80x128xf32>
      %add3A_43 = arith.constant 5.000000e-01 : f32
      %add3A_44 = vector.broadcast %add3A_43 : f32 to vector<80x128xf32>
      %add3A_45 = arith.addf %add3A_44, %mul3A_42 : vector<80x128xf32>
      %slice3A_46 = vector.extract_strided_slice %get3A_31 {offsets = [0, 128], sizes = [80, 128], strides = [1, 1]} : vector<80x384xf32> to vector<80x128xf32>
      %slice3A_47 = vector.extract_strided_slice %add3A_33 {offsets = [0, 128], sizes = [80, 128], strides = [1, 1]} : vector<80x384xf32> to vector<80x128xf32>
      %add3A_48 = arith.addf %slice3A_46, %slice3A_47 : vector<80x128xf32>
      %mul3A_49 = arith.constant 5.000000e-01 : f32
      %mul3A_50 = vector.broadcast %mul3A_49 : f32 to vector<80x128xf32>
      %mul3A_51 = arith.mulf %mul3A_50, %add3A_48 : vector<80x128xf32>
      %tanh3A_52 = math.tanh %mul3A_51 : vector<80x128xf32>
      %mul3A_53 = arith.constant 5.000000e-01 : f32
      %mul3A_54 = vector.broadcast %mul3A_53 : f32 to vector<80x128xf32>
      %mul3A_55 = arith.mulf %mul3A_54, %tanh3A_52 : vector<80x128xf32>
      %add3A_56 = arith.constant 5.000000e-01 : f32
      %add3A_57 = vector.broadcast %add3A_56 : f32 to vector<80x128xf32>
      %add3A_58 = arith.addf %add3A_57, %mul3A_55 : vector<80x128xf32>
      %slice3A_59 = vector.extract_strided_slice %get3A_31 {offsets = [0, 256], sizes = [80, 128], strides = [1, 1]} : vector<80x384xf32> to vector<80x128xf32>
      %slice3A_60 = vector.extract_strided_slice %add3A_33 {offsets = [0, 256], sizes = [80, 128], strides = [1, 1]} : vector<80x384xf32> to vector<80x128xf32>
      %mul3A_61 = arith.mulf %add3A_45, %slice3A_60 : vector<80x128xf32>
      %add3A_62 = arith.addf %slice3A_59, %mul3A_61 : vector<80x128xf32>
      %tanh3A_63 = math.tanh %add3A_62 : vector<80x128xf32>
      %sub3A = arith.subf %scan3A_27, %tanh3A_63 : vector<80x128xf32>
      %mul3A_64 = arith.mulf %add3A_58, %sub3A : vector<80x128xf32>
      %add3A_65 = arith.addf %tanh3A_63, %mul3A_64 : vector<80x128xf32>
      %mul3A_66 = arith.constant 50 : i32
      %mul3A_67 = arith.muli %arg0, %mul3A_66 : i32
      %add3A_68 = arith.addi %mul3A_67, %scan3A_26 : i32
      %eq3A_69 = arith.constant 124 : i32
      %eq3A_70 = arith.cmpi eq, %add3A_68, %eq3A_69 : i32
      %and3A = vector.broadcast %eq3A_70 : i1 to vector<80x1xi1>
      %and3A_71 = arith.andi %and3A, %eq3A_12 : vector<80x1xi1>
      %broadcast_in_dim3A = vector.shape_cast %and3A_71 : vector<80x1xi1> to vector<80x1xi1>
      %broadcast_in_dim3A_72 = vector.broadcast %broadcast_in_dim3A : vector<80x1xi1> to vector<80x128xi1>
      %broadcast_in_dim3A_73 = vector.shape_cast %get3A_9 : vector<1x128xf32> to vector<1x128xf32>
      %broadcast_in_dim3A_74 = vector.broadcast %broadcast_in_dim3A_73 : vector<1x128xf32> to vector<80x128xf32>
      %select_n3A = arith.select %broadcast_in_dim3A_72, %broadcast_in_dim3A_74, %add3A_65 : vector<80x128xi1>, vector<80x128xf32>
      %mul3A_75 = arith.constant 80 : i32
      %mul3A_76 = arith.muli %scan3A_26, %mul3A_75 : i32
      %swap3A_77 = arith.index_cast %mul3A_76 : i32 to index
      %swap3A_78 = arith.constant 0 : index
      %swap3A_79 = vector.load %arg5[%swap3A_77, %swap3A_78] : memref<4000x128xf32, #tpu.memory_space<vmem>>, vector<80x128xf32>
      tpu.vector_store %arg5[%swap3A_77, %swap3A_78], %select_n3A {strides = array<i32>} : memref<4000x128xf32, #tpu.memory_space<vmem>>, vector<80x128xf32>,
      %scan3A_80 = arith.constant 1 : i32
      %scan3A_81 = arith.addi %scan3A_26, %scan3A_80 : i32
      %mul3A_82 = arith.constant 80 : i32
      %mul3A_83 = arith.muli %scan3A_81, %mul3A_82 : i32
      %get3A_84 = arith.index_cast %mul3A_83 : i32 to index
      %get3A_85 = arith.constant 0 : index
      %get3A_86 = vector.load %arg1[%get3A_84, %get3A_85] : memref<4000x384xf32, #tpu.memory_space<vmem>>, vector<80x384xf32>
      %dot_general3A_87 = arith.constant dense<0.000000e+00> : vector<80x384xf32>
      %dot_general3A_88 = tpu.matmul %select_n3A, %get3A_3, %dot_general3A_87 {dimension_numbers = #tpu.dot_dimension_numbers<[1], [0], [0], [1], [0, 0, 1, 1], [], []>, precision = #tpu.contract_precision<fp32>, transpose_lhs_hint = false} : vector<80x128xf32>, vector<128x384xf32>, vector<80x384xf32> -> vector<80x384xf32>
      %add3A_89 = vector.broadcast %get3A_6 : vector<1x384xf32> to vector<80x384xf32>
      %add3A_90 = arith.addf %dot_general3A_88, %add3A_89 : vector<80x384xf32>
      %slice3A_91 = vector.extract_strided_slice %get3A_86 {offsets = [0, 0], sizes = [80, 128], strides = [1, 1]} : vector<80x384xf32> to vector<80x128xf32>
      %slice3A_92 = vector.extract_strided_slice %add3A_90 {offsets = [0, 0], sizes = [80, 128], strides = [1, 1]} : vector<80x384xf32> to vector<80x128xf32>
      %add3A_93 = arith.addf %slice3A_91, %slice3A_92 : vector<80x128xf32>
      %mul3A_94 = arith.constant 5.000000e-01 : f32
      %mul3A_95 = vector.broadcast %mul3A_94 : f32 to vector<80x128xf32>
      %mul3A_96 = arith.mulf %mul3A_95, %add3A_93 : vector<80x128xf32>
      %tanh3A_97 = math.tanh %mul3A_96 : vector<80x128xf32>
      %mul3A_98 = arith.constant 5.000000e-01 : f32
      %mul3A_99 = vector.broadcast %mul3A_98 : f32 to vector<80x128xf32>
      %mul3A_100 = arith.mulf %mul3A_99, %tanh3A_97 : vector<80x128xf32>
      %add3A_101 = arith.constant 5.000000e-01 : f32
      %add3A_102 = vector.broadcast %add3A_101 : f32 to vector<80x128xf32>
      %add3A_103 = arith.addf %add3A_102, %mul3A_100 : vector<80x128xf32>
      %slice3A_104 = vector.extract_strided_slice %get3A_86 {offsets = [0, 128], sizes = [80, 128], strides = [1, 1]} : vector<80x384xf32> to vector<80x128xf32>
      %slice3A_105 = vector.extract_strided_slice %add3A_90 {offsets = [0, 128], sizes = [80, 128], strides = [1, 1]} : vector<80x384xf32> to vector<80x128xf32>
      %add3A_106 = arith.addf %slice3A_104, %slice3A_105 : vector<80x128xf32>
      %mul3A_107 = arith.constant 5.000000e-01 : f32
      %mul3A_108 = vector.broadcast %mul3A_107 : f32 to vector<80x128xf32>
      %mul3A_109 = arith.mulf %mul3A_108, %add3A_106 : vector<80x128xf32>
      %tanh3A_110 = math.tanh %mul3A_109 : vector<80x128xf32>
      %mul3A_111 = arith.constant 5.000000e-01 : f32
      %mul3A_112 = vector.broadcast %mul3A_111 : f32 to vector<80x128xf32>
      %mul3A_113 = arith.mulf %mul3A_112, %tanh3A_110 : vector<80x128xf32>
      %add3A_114 = arith.constant 5.000000e-01 : f32
      %add3A_115 = vector.broadcast %add3A_114 : f32 to vector<80x128xf32>
      %add3A_116 = arith.addf %add3A_115, %mul3A_113 : vector<80x128xf32>
      %slice3A_117 = vector.extract_strided_slice %get3A_86 {offsets = [0, 256], sizes = [80, 128], strides = [1, 1]} : vector<80x384xf32> to vector<80x128xf32>
      %slice3A_118 = vector.extract_strided_slice %add3A_90 {offsets = [0, 256], sizes = [80, 128], strides = [1, 1]} : vector<80x384xf32> to vector<80x128xf32>
      %mul3A_119 = arith.mulf %add3A_103, %slice3A_118 : vector<80x128xf32>
      %add3A_120 = arith.addf %slice3A_117, %mul3A_119 : vector<80x128xf32>
      %tanh3A_121 = math.tanh %add3A_120 : vector<80x128xf32>
      %sub3A_122 = arith.subf %select_n3A, %tanh3A_121 : vector<80x128xf32>
      %mul3A_123 = arith.mulf %add3A_116, %sub3A_122 : vector<80x128xf32>
      %add3A_124 = arith.addf %tanh3A_121, %mul3A_123 : vector<80x128xf32>
      %mul3A_125 = arith.constant 50 : i32
      %mul3A_126 = arith.muli %arg0, %mul3A_125 : i32
      %add3A_127 = arith.addi %mul3A_126, %scan3A_81 : i32
      %eq3A_128 = arith.constant 124 : i32
      %eq3A_129 = arith.cmpi eq, %add3A_127, %eq3A_128 : i32
      %and3A_130 = vector.broadcast %eq3A_129 : i1 to vector<80x1xi1>
      %and3A_131 = arith.andi %and3A_130, %eq3A_12 : vector<80x1xi1>
      %broadcast_in_dim3A_132 = vector.shape_cast %and3A_131 : vector<80x1xi1> to vector<80x1xi1>
      %broadcast_in_dim3A_133 = vector.broadcast %broadcast_in_dim3A_132 : vector<80x1xi1> to vector<80x128xi1>
      %broadcast_in_dim3A_134 = vector.shape_cast %get3A_9 : vector<1x128xf32> to vector<1x128xf32>
      %broadcast_in_dim3A_135 = vector.broadcast %broadcast_in_dim3A_134 : vector<1x128xf32> to vector<80x128xf32>
      %select_n3A_136 = arith.select %broadcast_in_dim3A_133, %broadcast_in_dim3A_135, %add3A_124 : vector<80x128xi1>, vector<80x128xf32>
      %mul3A_137 = arith.constant 80 : i32
      %mul3A_138 = arith.muli %scan3A_81, %mul3A_137 : i32
      %swap3A_139 = arith.index_cast %mul3A_138 : i32 to index
      %swap3A_140 = arith.constant 0 : index
      %swap3A_141 = vector.load %arg5[%swap3A_139, %swap3A_140] : memref<4000x128xf32, #tpu.memory_space<vmem>>, vector<80x128xf32>
      tpu.vector_store %arg5[%swap3A_139, %swap3A_140], %select_n3A_136 {strides = array<i32>} : memref<4000x128xf32, #tpu.memory_space<vmem>>, vector<80x128xf32>,
      scf.yield %select_n3A_136 : vector<80x128xf32>
    }
    %scan3A_20 = arith.constant 50 : i32
    %swap3A = arith.constant 0 : index
    %swap3A_21 = arith.constant 0 : index
    %swap3A_22 = vector.load %arg7[%swap3A, %swap3A_21] : memref<80x128xf32, #tpu.memory_space<vmem>>, vector<80x128xf32>
    tpu.vector_store %arg7[%swap3A, %swap3A_21], %scan3A_19 {strides = array<i32>} : memref<80x128xf32, #tpu.memory_space<vmem>>, vector<80x128xf32>,
    %slice3A = vector.extract_strided_slice %scan3A_19 {offsets = [79, 0], sizes = [1, 128], strides = [1, 1]} : vector<80x128xf32> to vector<1x128xf32>
    %swap3A_23 = arith.constant 0 : index
    %swap3A_24 = arith.constant 0 : index
    %swap3A_25 = vector.load %arg6[%swap3A_23, %swap3A_24] : memref<1x128xf32, #tpu.memory_space<vmem>>, vector<1x128xf32>
    tpu.vector_store %arg6[%swap3A_23, %swap3A_24], %slice3A {strides = array<i32>} : memref<1x128xf32, #tpu.memory_space<vmem>>, vector<1x128xf32>,
    return
  }
  func.func @transform_0(%arg0: i32) -> (i32, i32) {
    %c0_i32 = arith.constant 0 : i32
    %c0_i32_0 = arith.constant 0 : i32
    return %arg0, %c0_i32 : i32, i32
  }
  func.func @transform_1(%arg0: i32) -> (i32, i32) {
    %c0_i32 = arith.constant 0 : i32
    %c0_i32_0 = arith.constant 0 : i32
    %c0_i32_1 = arith.constant 0 : i32
    return %c0_i32, %c0_i32_0 : i32, i32
  }
  func.func @transform_2(%arg0: i32) -> (i32, i32) {
    %c0_i32 = arith.constant 0 : i32
    %c0_i32_0 = arith.constant 0 : i32
    %c0_i32_1 = arith.constant 0 : i32
    return %c0_i32, %c0_i32_0 : i32, i32
  }
  func.func @transform_3(%arg0: i32) -> (i32, i32) {
    %c0_i32 = arith.constant 0 : i32
    %c0_i32_0 = arith.constant 0 : i32
    %c0_i32_1 = arith.constant 0 : i32
    return %c0_i32, %c0_i32_0 : i32, i32
  }
  func.func @transform_4(%arg0: i32) -> (i32, i32) {
    %c0_i32 = arith.constant 0 : i32
    %c0_i32_0 = arith.constant 0 : i32
    return %arg0, %c0_i32 : i32, i32
  }
  func.func @transform_5(%arg0: i32) -> (i32, i32) {
    %c0_i32 = arith.constant 0 : i32
    %c0_i32_0 = arith.constant 0 : i32
    %c0_i32_1 = arith.constant 0 : i32
    return %c0_i32, %c0_i32_0 : i32, i32
  }
}

</mosaic_0001>

<sc_bundles>
// kernel: gather_offload_async_start
scs
__scs_entry_jumppad:
0x0: {  	(pc) =	sbr.rel $0x88, $3  }
0x1: {  	(tag) =	ssettag $0x0;
	lr =	simm.s32 $0x1  }
0x2: {  	[smem:$0x3F98] =	sst lr;
	_ =	strace $0xD0000000  }
0x3: {  	_ = 	snop  }
0x4: {  	_ = 	snop  }
0x5: {  	_ = 	snop  }
0x6: {  	_ = 	snop  }
0x7: {  	_ = 	snop  }
__scs_overlays_trampoline_lowered:
0x8: {  	[smem:$0x3FA7] =	sst s0  }
0x9: {  	[smem:$0x3FA8] =	sst s1  }
0xa: {  	[smem:$0x3FA9] =	sst s2  }
0xb: {  	[smem:$0x3FAA] =	sst s3  }
0xc: {  	[smem:$0x3FAB] =	sst s4  }
0xd: {  	[smem:$0x3FAC] =	sst s5  }
0xe: {  	[smem:$0x3FAD] =	sst s6  }
0xf: {  	[smem:$0x3FAE] =	sst s7  }
0x10: {  	[smem:$0x3FAF] =	sst s8  }
0x11: {  	[smem:$0x3FB0] =	sst s9;
	s0 =	simm.s32 @!p0 $0x0  }
0x12: {  	s1 =	sld [smem:$0x3F96];
	s0 =	simm.s32 @p0 $0x1  }
0x13: {  	[smem:$0x3FB1] =	sst s0;
	s0 =	simm.s32 @!p1 $0x0  }
0x14: {  	s2 =	sld [smem:$0x3F95];
	s0 =	simm.s32 @p1 $0x1  }
0x15: {  	[smem:$0x3FB2] =	sst s0;
	s0 =	simm.s32 @!p2 $0x0  }
0x16: {  	s3 =	sld [smem:$0x3FDB];
	s0 =	simm.s32 @p2 $0x1  }
0x17: {  	s4 =	simm.s32 $0x1BF5;
	[smem:$0x3FB4] =	sst s0  }
0x18: {  	s0 =	sld [smem:$0x3F97];
	_ =	swait.ge [sflag:s4], $0x0  }
0x19: {  	s7 =	sld [smem:$0x3F98]  }
0x1a: {  	s8 =	sadd.s32 $0xFFFFE003, lr  }
0x1b: {  	s9 =	sadd.s32 $0xFFFFFEF7, lr;
	s5 =	simm.s32 $0xFFFFFFFF;
	p2 =	slt.u32 s8, $0xFFFFF086  }
0x1c: {  	p1 =	slt.u32 s9, $0xF7A;
	s5 =	simm.s32 @!p2 $0x0  }
0x1d: {  	s5 =	simm.s32 @p1 $0x1;
	p0 =	seq.s32 s7, s2  }
0x1e: {  	s7 =	smul.u32 @!p0 $0xF7A, s2;
	p2 =	seq.s32 @!p0 s5, $0x0  }
0x1f: {  	s9 =	smul.u32 $0xF7A, s1;
	s8 =	simm.s32 @!p0 $0x1BF5;
	p2 =	por !p2, p0  }
0x20: {  	[sflag:s8] =	ssyncset.s32 @!p0 $0xFFFFF086;
	s6 =	sadd.s32 @!p0 s3, s7;
	s7 =	simm.s32 @!p0 $0x108  }
0x21: {  	s3 =	sadd.s32 s3, s9;
	s6 =	sadd.s32 @!p0 $0x88, s6;
	s7 =	simm.s32 @p2 $0x1082  }
0x22: {  	[simem:s7], [sflag:s8] =	dma.local @!p0 [hbm:s6], $0xF7A  }
0x23: {  	s9 =	sor.u32 $0xD0000000, s2;
	s6 =	simm.s32 $0x108;
	_ =	swait.ge @!p0 [sflag:s8], $0x0  }
0x24: {  	s3 =	sadd.s32 $0x88, s3;
	s6 =	simm.s32 @!p1 $0x1082;
	[sflag:s4] =	ssyncset.s32 $0xFFFFF086  }
0x25: {  	[simem:s6], [sflag:s4] =	dma.local [hbm:s3], $0xF7A  }
0x26: {  	[smem:$0x3F98] =	sst s1;
	(tag) =	ssettag s2;
	_ =	strace s9  }
0x27: {  	s1 =	sld [smem:$0x3FA8]  }
0x28: {  	s2 =	sld [smem:$0x3FA9]  }
0x29: {  	s4 =	sld [smem:$0x3FAB]  }
0x2a: {  	p0 =	seq.s32 s5, $0x0;
	s5 =	sld [smem:$0x3FAC]  }
0x2b: {  	s6 =	sld [smem:$0x3FAD]  }
0x2c: {  	s7 =	sld [smem:$0x3FAE]  }
0x2d: {  	s3 =	simm.s32 $0x108;
	s8 =	sld [smem:$0x3FAF]  }
0x2e: {  	s3 =	simm.s32 @!p0 $0x1082;
	s9 =	sld [smem:$0x3FB0]  }
0x2f: {  	lr =	sadd.s32 s0, s3;
	s0 =	sld [smem:$0x3FA7]  }
0x30: {  	s3 =	sld [smem:$0x3FAA]  }
0x31: {  	[smem:$0x3FB3] =	sst s10  }
0x32: {  	s10 =	sld [smem:$0x3FB1];
	_ =	sdelay $0x3  }
0x33: {  	p0 =	seq.s32 s10, $0x1;
	s10 =	sld [smem:$0x3FB3];
	_ =	sdelay $0x3  }
0x34: {  	[smem:$0x3FB3] =	sst s10  }
0x35: {  	s10 =	sld [smem:$0x3FB2];
	_ =	sdelay $0x3  }
0x36: {  	p1 =	seq.s32 s10, $0x1;
	s10 =	sld [smem:$0x3FB3];
	_ =	sdelay $0x3  }
0x37: {  	[smem:$0x3FB3] =	sst s10  }
0x38: {  	s10 =	sld [smem:$0x3FB4]  }
0x39: {  	_ = 	snop;
	(pc) =	sbr.ind lr, $3  }
0x3a: {  	_ = 	snop  }
0x3b: {  	_ = 	snop  }
0x3c: {  	p2 =	seq.s32 s10, $0x1;
	s10 =	sld [smem:$0x3FB3]  }
0x3d: {  	_ =	shalt  }
0x3e: {  	_ =	shalt  }
0x3f: {  	_ =	shalt  }
0x40: {  	_ =	shalt  }
0x41: {  	_ =	shalt  }
0x42: {  	_ =	shalt  }
0x43: {  	_ =	shalt  }
0x44: {  	_ =	shalt  }
0x45: {  	_ =	shalt  }
0x46: {  	_ =	shalt  }
0x47: {  	_ =	shalt  }
0x48: {  	_ =	shalt  }
0x49: {  	_ =	shalt  }
0x4a: {  	_ =	shalt  }
0x4b: {  	_ =	shalt  }
0x4c: {  	_ =	shalt  }
0x4d: {  	_ =	shalt  }
0x4e: {  	_ =	shalt  }
0x4f: {  	_ =	shalt  }
0x50: {  	_ =	shalt  }
0x51: {  	_ =	shalt  }
0x52: {  	_ =	shalt  }
0x53: {  	_ =	shalt  }
0x54: {  	_ =	shalt  }
0x55: {  	_ =	shalt  }
0x56: {  	_ =	shalt  }
0x57: {  	_ =	shalt  }
0x58: {  	_ =	shalt  }
0x59: {  	_ =	shalt  }
0x5a: {  	_ =	shalt  }
0x5b: {  	_ =	shalt  }
0x5c: {  	_ =	shalt  }
0x5d: {  	_ =	shalt  }
0x5e: {  	_ =	shalt  }
0x5f: {  	_ =	shalt  }
0x60: {  	_ =	shalt  }
0x61: {  	_ =	shalt  }
0x62: {  	_ =	shalt  }
0x63: {  	_ =	shalt  }
0x64: {  	_ =	shalt  }
0x65: {  	_ =	shalt  }
0x66: {  	_ =	shalt  }
0x67: {  	_ =	shalt  }
0x68: {  	_ =	shalt  }
0x69: {  	_ =	shalt  }
0x6a: {  	_ =	shalt  }
0x6b: {  	_ =	shalt  }
0x6c: {  	_ =	shalt  }
0x6d: {  	_ =	shalt  }
0x6e: {  	_ =	shalt  }
0x6f: {  	_ =	shalt  }
0x70: {  	_ =	shalt  }
0x71: {  	_ =	shalt  }
0x72: {  	_ =	shalt  }
0x73: {  	_ =	shalt  }
0x74: {  	_ =	shalt  }
0x75: {  	_ =	shalt  }
0x76: {  	_ =	shalt  }
0x77: {  	_ =	shalt  }
0x78: {  	_ =	shalt  }
0x79: {  	_ =	shalt  }
0x7a: {  	_ =	shalt  }
0x7b: {  	_ =	shalt  }
0x7c: {  	_ =	shalt  }
0x7d: {  	_ =	shalt  }
0x7e: {  	_ =	shalt  }
0x7f: {  	_ =	shalt  }
0x80: {  	_ =	shalt  }
0x81: {  	_ =	shalt  }
0x82: {  	_ =	shalt  }
0x83: {  	_ =	shalt  }
0x84: {  	_ =	shalt  }
0x85: {  	_ =	shalt  }
0x86: {  	_ =	shalt  }
0x87: {  	_ =	shalt  }
.Lfunc_end0:
.L_simem_size_0:
called_computation_lowered:
.L_overlay_start_0:
0x88: {  	s2 =	sld [smem:$0x3FD9]  }
0x89: {  	s3 =	sld [smem:$0x3FFE];
	_ =	sdelay $0x1  }
0x8a: {  	s1 =	srdreg.scid  }
0x8b: {  	s0 =	sand.u32 $0x1, s1  }
0x8c: {  	s16 =	sshll.u32 s0, $0xA;
	s2 =	sadd.s32 s3, s2  }
0x8d: {  	s2 =	sadd.s32 s2, s16  }
0x8e: {  	[smem:$0x3FBF] =	sst s2  }
0x8f: {  	_ = 	snop  }
0x90: {  	(tm) =	ssettm $0x1  }
0x91: {  	s17 =	sld [smem:$0x3FFB];
	_ =	sdelay $0x3  }
0x92: {  	_ =	strace s17  }
0x93: {  	s2 =	sld [smem:$0x3FFC];
	_ =	sdelay $0x3  }
0x94: {  	_ =	strace s2  }
0x95: {  	s2 =	sld [smem:$0x3FFD];
	_ =	sdelay $0x3  }
0x96: {  	_ =	strace s2  }
0x97: {  	_ =	strace $0x8FFFFFFF  }
0x98: {  	s18 =	sld [smem:$0x3FDB];
	_ =	sdelay $0x1  }
0x99: {  	s19 =	simm.s32 $_scs_section_size  }
0x9a: {  	s4 =	simm.s32 $_size__tile_overlayer_lowered;
	s5 =	simm.s32 $_tile_overlayer_lowered  }
0x9b: {  	s22 =	simm.s32 $0x1BFF;
	s21 =	sshll.u32 s5, $0x1;
	s2 =	sadd.s32 s19, s18  }
0x9c: {  	s6 =	simm.s32 $0x0;
	s20 =	sshll.u32 s4, $0x1;
	s4 =	sadd.s32 s21, s2  }
0x9d: {  	[timem:s6], [sflag:s22] =	dma.local [hbm:s4], s20  }
0x9e: {  	_ =	swait.ge [sflag:s22], s20  }
0x9f: {  	s3 =	ssub.s32 $0x0, s20;
	[sflag:s22] =	ssyncset.done $0x0  }
0xa0: {  	[sflag:s22] =	ssyncadd.s32 s3;
	_ =	sdelay $0x1  }
0xa1: {  	s23 =	simm.s32 $0x1B8B  }
0xa2: {  	_ =	swait.ge [sflag:s23], $0x1  }
0xa3: {  	[sflag:s23] =	ssyncset.done $0x0  }
0xa4: {  	s25 =	simm.s32 $0x1B8E;
	s24 =	sld [smem:$0x3FFE];
	[sflag:s23] =	ssyncadd.s32 $0xFFFFFFFF  }
0xa5: {  	s26 =	simm.s32 $execute0_lowered;
	[smem:$0x3FD2] =	sst s25  }
0xa6: {  	s4 =	sshll.u32 s26, $0x1;
	_ =	strace $0x8000004C;
	[dreg:$0x1] =	wrdreg $0xFFFFFFFF  }
0xa7: {  	s28 =	simm.s32 $_size_execute0_lowered;
	s2 =	sadd.s32 s2, s4;
	[dreg:$0x0] =	wrdreg $0x0  }
0xa8: {  	s4 =	sshll.u32 s28, $0x1;
	[dreg:$0x2] =	wrdreg s2  }
0xa9: {  	[dreg:$0x3] =	wrdreg s4  }
0xaa: {  	[dreg:$0x4] =	wrdreg $0xC0  }
0xab: {  	_ =	task [dreg:s6], $0x5FFFF  }
0xac: {  	[dreg:$0x1] =	wrdreg $0xFFFFFFFF  }
0xad: {  	[dreg:$0x0] =	wrdreg $0x60  }
0xae: {  	[dreg:$0x2] =	wrdreg s24  }
0xaf: {  	[dreg:$0x3] =	wrdreg $0x9  }
0xb0: {  	_ =	task.clear_ibuf [dreg:s6], $0x4FFFF;
	_ =	strace $0x9000004C  }
0xb1: {  	s29 =	simm.s32 $0x9;
	_ =	strace $0x8000004E  }
0xb2: {  	_ =	swait.ge [sflag:s29], $0x1  }
0xb3: {  	[sflag:s29] =	ssyncadd.s32 $0xFFFFFFFF  }
0xb4: {  	_ =	strace $0x9000004E  }
0xb5: {  	_ =	sfence  }
0xb6: {  	s30 =	sld [smem:$0x0];
	_ =	sdelay $0x2  }
0xb7: {  	s31 =	sshll.u32 s1, $0xD;
	s1 =	sshrl.u32 s1, $0x2  }
0xb8: {  	s3 =	sand.u32 $0x4000, s31;
	s1 =	sadd.s32 s1, s30  }
0xb9: {  	s0 =	sor.u32 s3, s0;
	s1 =	sshll.u32 s1, $0x11  }
0xba: {  	s0 =	sor.u32 s1, s0  }
0xbb: {  	s0 =	sadd.s32 $0x8F2B, s0  }
0xbc: {  	[sflag:s0] =	ssyncadd.remote.s32 $0x1  }
0xbd: {  	_ =	sfence.sel $0xFFFF  }
0xbe: {  	[dreg:$0x0] =	wrdreg $0xFFFFFFFF;
	(pc) =	sbr.abs _section_cstart, $3  }
0xbf: {  	[dreg:$0x1] =	wrdreg $0xFFFFFFFF  }
0xc0: {  	_ =	task.clear_ibuf [dreg:s6], $0x2FFFF;
	_ =	strace $0x9FFFFFFF  }
0xc1: {  	(tm) =	ssettm $0x7FFFFFFF  }
tec
execute0_lowered:
.L_overlay_start_1:
0x0: {  	(tag) =	ssettag $0x1  }
0x1: {  	s0 =	srdreg.scid  }
0x2: {  	s1 =	sshll.u32 s0, $0x4  }
0x3: {  	s0 =	stileid.u32;
	s1 =	sand.u32 $0x10, s1  }
0x4: {  	s2 =	sor.u32 s0, s1  }
0x5: {  	s1 =	smin.u32 s2, $0x12  }
0x6: {  	s1 =	sadd.s32 s2, s1  }
0x7: {  	p0 =	slt.u32 s2, $0x12;
	s2 =	simm.s32 $0x320;
	s1 =	smul.u32 $0x190, s1  }
0x8: {  	s2 =	simm.s32 @!p0 $0x190  }
0x9: {  	s2 =	sadd.s32 s2, s1  }
0xa: {  	s3 =	smin.u32 s2, $0x4E20  }
0xb: {  	s4 =	ssub.s32 s3, s1  }
0xc: {  	p0 =	sgt.s32 s4, $0x0  }
0xd: {  	s4 =	simm.s32 @!p0 $0x0  }
0xe: {  	s31 =	sand.u32 $0xFFF0, s4  }
0xf: {  	s2 =	sshrl.u32 s31, $0x4  }
0x10: {  	s2 =	smul.u32 $0xA3E, s2;
	_ =	sdelay $0x1  }
0x11: {  	s9 =	rddreg [dreg:$0x0];
	s8 =	simm.s32 $0x1;
	s7 =	sshrl.u32 s2, $0x10  }
0x12: {  	s6 =	simm.s32 $0x2;
	s10 =	simm.s32 $0x3;
	s5 =	smul.u32 $0x190, s7  }
0x13: {  	s15 =	simm.s32 $0x0;
	s14 =	simm.s32 $0x0;
	s11 =	simm.s32 $0x0  }
0x14: {  	s13 =	simm.s32 $0x0;
	s12 =	smov.u32 s1;
	p0 =	sne.s32 s4, s5  }
.Ltmp0:
0x15: {  	s2 =	rddreg [dreg:$0x1];
	s8 =	simm.s32 @!p0 $0x0;
	(pc) =	sbr.rel .LBB2_1-.Ltmp0, $4  }
0x16: {  	_ =	strace $0x8000004D;
	s5 =	simm.s32 $0x1;
	s7 =	sadd.s32 s7, s8  }
0x17: {  	s4 =	sadd.s32 $0x79800, s9;
	[sflag:s5] =	ssyncpa.u1 $0x0;
	s7 =	smul.u32 $0x3, s7  }
0x18: {  	p0 =	por $0x0, $0x0;
	[sflag:s6] =	ssyncpa.u1 $0x0;
	s8 =	sadd.s32 $0x3A00, s9  }
0x19: {  	vm0 =	vmmov $0xff;
	vm1 =	vcmask $0x3F20;
	s9 =	sadd.s32 $0xF0400, s9;
	[sflag:s10] =	ssyncpa.u1 $0x0;
	s10 =	sadd.s32 $0x1, s7  }
.LBB2_6:
0x1a: {  	[hbm:s18] =	stream.linear.scatter [tilespmem:s15], [sflag:$0x3], $0x400, $0x38;
	[tilespmem:$0x19320] =	vst v63  }
.LBB2_7:
0x1b: {  	s16 =	sadd.s32 $0x80, s11;
	p1 =	slt.u32 s13, $0x2  }
0x1c: {  	s14 =	sadd.s32 $0x190, s12;
	s15 =	smov.u32 s12;
	p2 =	sgt.s32 s16, $0x17F  }
0x1d: {  	s15 =	smov.u32 @p2 s14;
	s16 =	simm.s32 @p2 $0x0;
	p2 =	sne.s32 s13, s10  }
.Ltmp1:
0x1e: {  	s17 =	simm.s32 @!p1 $0x3;
	(pc) =	sbr.rel @!p2 .LBB2_8-.Ltmp1, $4  }
0x1f: {  	s18 =	smov.u32 s1;
	p0 =	por !p0, !p0;
	_ =	swait.ge @!p1 [sflag:s17], $0xC800  }
0x20: {  	s13 =	sadd.s32 $0x1, s13;
	s14 =	smov.u32 s12;
	p3 =	slt.s32 s15, s3  }
0x21: {  	[sflag:s17] =	ssyncset.done @!p1 $0x0;
	s18 =	smov.u32 @p3 s15;
	s15 =	smov.u32 s11  }
0x22: {  	[sflag:s17] =	ssyncadd.s32 @!p1 $0xFFFF3800;
	s11 =	smov.u32 s16;
	s12 =	smov.u32 s18  }
.LBB2_1:
0x23: {  	p1 =	sge.u32 s13, s7  }
0x24: {  	s16 =	sxor.u32 @!p1 $0xFFFFFFFF, s13  }
0x25: {  	s16 =	sand.u32 @!p1 $0x1, s16  }
0x26: {  	s16 =	smul.u32 @!p1 $0x640, s16  }
0x27: {  	s31 =	sadd.s32 $0xFFFFFFFF, s13;
	s17 =	sshrl.u32 @!p1 s12, $0x3  }
0x28: {  	s18 =	sand.u32 @!p1 $0x7, s12;
	s17 =	sadd.s32 @!p1 s8, s17;
	s16 =	sshrl.u32 @!p1 s16, $0x2  }
0x29: {  	[tilespmem:s16], [sflag:$0x2] =	stream.linear.gather @!p1 [hbm4b:s17+s18], $0x190, $0x38;
	[tilespmem:$0x19320] =	vst v63  }
0x2a: {  	p1 =	sge.u32 s31, s7  }
.Ltmp2:
0x2b: {  	_ = 	snop;
	(pc) =	sbr.rel @p1 .LBB2_7-.Ltmp2, $1  }
0x2c: {  	_ =	sdelay $0x3  }
0x2d: {  	s16 =	simm.s32 $0x1  }
0x2e: {  	s16 =	simm.s32 @!p0 $0x0  }
0x2f: {  	s17 =	smul.u32 $0x640, s16  }
0x30: {  	_ =	swait.ge [sflag:s6], $0x190  }
0x31: {  	[sflag:s6] =	ssyncset.done $0x0;
	s18 =	sshrl.u32 s17, $0x2  }
0x32: {  	[sflag:s6] =	ssyncadd.s32 $0xFFFFFE70;
	s17 =	sadd.s32 $0x0, s18  }
0x33: {  	v0 =	vld.msk [tilespmem:s17+$0x0 ss:$0x1], $0xffff;
	_ =	sdelay $0x4  }
0x34: {  	vm2 =	vgt.s32 v0, $0x0  }
0x35: {  	v0 =	vnsel vm2, $0x0, v0  }
0x36: {  	v0 =	vmin.u32 v0, $0x278C  }
0x37: {  	v1 =	vshrl.u32 v0, $0x3  }
0x38: {  	v0 =	vshll.u32 v0, $0x7;
	v1 =	vmul.u32 $0xC00, v1  }
0x39: {  	v0 =	vand.u32 $0x380, v0  }
0x3a: {  	s17 =	sand.u32 $0xFFFFFF80, s15;
	v1 =	vor.u32 v0, v1  }
0x3b: {  	v0 =	vmov s17;
	v1 =	vshrl.u32 v1, $0x3  }
0x3c: {  	v1 =	vadd.s32 v0, v1  }
0x3d: {  	s31 =	smul.u32 $0x32000, s16;
	_ =	sdelay $0x1  }
0x3e: {  	s15 =	sshrl.u32 s31, $0x2  }
0x3f: {  	s15 =	sor.u32 $0x320, s15  }
0x40: {  	[tilespmem:s15], [sflag:$0x1] =	stream.indirect_vreg.gather [hbm:s4], $0x80, v1, vm0, $0x38;
	[tilespmem:$0x19320] =	vst v63  }
0x41: {  	s19 =	sadd.s32 $0x10, s18;
	s16 =	sadd.s32 $0x400, s15  }
0x42: {  	[tilespmem:s16], [sflag:$0x1] =	stream.indirect_vreg.gather [hbm:s4], $0x80, v1, vm1, $0x38;
	[tilespmem:$0x19320] =	vst v63  }
0x43: {  	s20 =	simm.s32 $0x80;
	v1 =	vld.msk [tilespmem:s19+$0x0 ss:$0x1], $0xffff;
	s19 =	smov.u32 s15  }
.LBB2_3:
0x44: {  	p1 =	sne.s32 s20, $0x600;
	_ =	sdelay $0x4  }
0x45: {  	vm2 =	vgt.s32 v1, $0x0  }
0x46: {  	v1 =	vnsel vm2, $0x0, v1  }
0x47: {  	v1 =	vmin.u32 v1, $0x278C  }
0x48: {  	v2 =	vshrl.u32 v1, $0x3  }
0x49: {  	v1 =	vshll.u32 v1, $0x7;
	v2 =	vmul.u32 $0xC00, v2  }
0x4a: {  	v1 =	vand.u32 $0x380, v1  }
0x4b: {  	v1 =	vor.u32 v1, v2  }
0x4c: {  	v1 =	vshrl.u32 v1, $0x3  }
0x4d: {  	v1 =	vadd.s32 v0, v1;
	_ =	sdelay $0x3  }
.Ltmp3:
0x4e: {  	s21 =	sshra.s32 s20, $0x2;
	s19 =	sadd.s32 $0x800, s19;
	(pc) =	sbr.rel @p1 .LBB2_3-.Ltmp3, $4  }
0x4f: {  	[tilespmem:s19], [sflag:$0x1] =	stream.indirect_vreg.gather [hbm:s4], $0x80, v1, vm0, $0x38;
	[tilespmem:$0x19320] =	vst v63  }
0x50: {  	s21 =	sadd.s32 s21, s18;
	s22 =	sadd.s32 $0x400, s19  }
0x51: {  	[tilespmem:s22], [sflag:$0x1] =	stream.indirect_vreg.gather [hbm:s4], $0x80, v1, vm1, $0x38;
	[tilespmem:$0x19320] =	vst v63  }
0x52: {  	s20 =	sadd.s32 $0x40, s20;
	v1 =	vld.msk [tilespmem:s21+$0x0 ss:$0x1], $0xffff  }
0x53: {  	_ =	sdelay $0x3  }
0x54: {  	vm2 =	vgt.s32 v1, $0x0  }
0x55: {  	v1 =	vnsel vm2, $0x0, v1  }
0x56: {  	v1 =	vmin.u32 v1, $0x278C  }
0x57: {  	v2 =	vshrl.u32 v1, $0x3  }
0x58: {  	v1 =	vshll.u32 v1, $0x7;
	v2 =	vmul.u32 $0xC00, v2  }
0x59: {  	v1 =	vand.u32 $0x380, v1  }
0x5a: {  	v1 =	vor.u32 v1, v2  }
0x5b: {  	v1 =	vshrl.u32 v1, $0x3  }
0x5c: {  	v0 =	vadd.s32 v0, v1;
	_ =	sdelay $0x2  }
0x5d: {  	s29 =	sshrl.u32 s14, $0x3  }
0x5e: {  	s18 =	sadd.s32 $0x800, s19;
	s19 =	smul.u32 $0x180, s29  }
0x5f: {  	[tilespmem:s18], [sflag:$0x1] =	stream.indirect_vreg.gather [hbm:s4], $0x80, v0, vm0, $0x38;
	[tilespmem:$0x19320] =	vst v63  }
0x60: {  	s30 =	sshll.u32 s14, $0x4;
	s31 =	sadd.s32 s19, s9;
	s18 =	sadd.s32 $0x400, s18  }
0x61: {  	[tilespmem:s18], [sflag:$0x1] =	stream.indirect_vreg.gather [hbm:s4], $0x80, v0, vm1, $0x38;
	[tilespmem:$0x19320] =	vst v63  }
0x62: {  	s14 =	sand.u32 $0x70, s30;
	s17 =	sadd.s32 s17, s31;
	_ =	swait.ge [sflag:s5], $0xC800  }
0x63: {  	s14 =	sadd.s32 s14, s17;
	[sflag:s5] =	ssyncset.done $0x0  }
0x64: {  	s17 =	simm.s32 $0x180;
	s18 =	sadd.s32 $0x0, s14;
	[sflag:s5] =	ssyncadd.s32 $0xFFFF3800  }
.LBB2_5:
0x65: {  	[hbm:s18] =	stream.linear.scatter [tilespmem:s15], [sflag:$0x3], $0x400, $0x38;
	[tilespmem:$0x19320] =	vst v63  }
0x66: {  	s18 =	smov.u32 s17;
	s15 =	smov.u32 s16;
	p1 =	sne.s32 s17, $0x4980  }
.Ltmp4:
0x67: {  	s17 =	sadd.s32 $0x180, s17;
	(pc) =	sbr.rel @p1 .LBB2_5-.Ltmp4, $2  }
0x68: {  	_ =	sdelay $0x2  }
0x69: {  	s16 =	sadd.s32 $0x400, s16;
	s18 =	sadd.s32 s18, s14  }
.Ltmp5:
0x6a: {  	_ = 	snop;
	(pc) =	sbr.rel .LBB2_6-.Ltmp5, $1  }
0x6b: {  	_ =	sdelay $0x3  }
.LBB2_8:
0x6c: {  	_ =	sfence.sel $0x180000  }
0x6d: {  	s1 =	simm.s32 $0x2;
	[bflag:$0x0] =	sbarrier.arrive $0xFFFF  }
0x6e: {  	s30 =	simm.s32 $0x3;
	[sflag:s1] =	ssyncpa.u1 $0x1  }
0x6f: {  	s31 =	simm.s32 $0x1;
	[sflag:s30] =	ssyncpa.u1 $0x1  }
0x70: {  	[sflag:s31] =	ssyncpa.u1 $0x1  }
0x71: {  	p0 =	sne.s32 s0, $0x0;
	_ =	strace $0x9000004D  }
0x72: {  	s0 =	sadd.s32 @!p0 $0x100000, s2;
	[bflag:$0x2] =	sbarrier.arrive $0xFFFF  }
0x73: {  	[sflag:s0] =	ssyncadd.tile.s32 @!p0 $0x1;
	_ =	shalt  }
.Lfunc_end2:
_tile_overlayer_lowered:
.L_overlay_start_2:
0x74: {  	(tag) =	ssettag $0x2  }
0x75: {  	s0 =	rddreg [dreg:$0x0];
	s2 =	stileid.u32  }
0x76: {  	s1 =	rddreg [dreg:$0x1];
	p0 =	sne.s32 s2, $0x0  }
0x77: {  	s3 =	rddreg [dreg:$0x2];
	[bflag:$0x3] =	sbarrier.arrive $0xFFFF;
	s2 =	simm.s32 @!p0 $0x1C01  }
0x78: {  	[timem:s3], [sflag:s2] =	dma.local @!p0 [hbm:s0], s1  }
0x79: {  	s0 =	simm.s32 @!p0 $0x1  }
0x7a: {  	_ =	swait.ge @!p0 [sflag:s0], s1  }
0x7b: {  	s1 =	ssub.s32 @!p0 $0x0, s1;
	[sflag:s0] =	ssyncset.done @!p0 $0x0  }
0x7c: {  	[sflag:s0] =	ssyncadd.s32 @!p0 s1  }
0x7d: {  	[bflag:$0x3] =	sbarrier.arrive $0xFFFF  }
0x7e: {  	_ =	shalt  }

// kernel: kernel.11.cloned.1.call-start
scs
__scs_entry_jumppad:
0x0: {  	(pc) =	sbr.rel $0x88, $3  }
0x1: {  	(tag) =	ssettag $0x0;
	lr =	simm.s32 $0x1  }
0x2: {  	[smem:$0x3F98] =	sst lr;
	_ =	strace $0xD0000000  }
0x3: {  	_ = 	snop  }
0x4: {  	_ = 	snop  }
0x5: {  	_ = 	snop  }
0x6: {  	_ = 	snop  }
0x7: {  	_ = 	snop  }
__scs_overlays_trampoline_lowered:
0x8: {  	[smem:$0x3FA7] =	sst s0  }
0x9: {  	[smem:$0x3FA8] =	sst s1  }
0xa: {  	[smem:$0x3FA9] =	sst s2  }
0xb: {  	[smem:$0x3FAA] =	sst s3  }
0xc: {  	[smem:$0x3FAB] =	sst s4  }
0xd: {  	[smem:$0x3FAC] =	sst s5  }
0xe: {  	[smem:$0x3FAD] =	sst s6  }
0xf: {  	[smem:$0x3FAE] =	sst s7  }
0x10: {  	[smem:$0x3FAF] =	sst s8  }
0x11: {  	[smem:$0x3FB0] =	sst s9;
	s0 =	simm.s32 @!p0 $0x0  }
0x12: {  	s1 =	sld [smem:$0x3F96];
	s0 =	simm.s32 @p0 $0x1  }
0x13: {  	[smem:$0x3FB1] =	sst s0;
	s0 =	simm.s32 @!p1 $0x0  }
0x14: {  	s2 =	sld [smem:$0x3F95];
	s0 =	simm.s32 @p1 $0x1  }
0x15: {  	[smem:$0x3FB2] =	sst s0;
	s0 =	simm.s32 @!p2 $0x0  }
0x16: {  	s3 =	sld [smem:$0x3FDB];
	s0 =	simm.s32 @p2 $0x1  }
0x17: {  	s4 =	simm.s32 $0x1BF5;
	[smem:$0x3FB4] =	sst s0  }
0x18: {  	s0 =	sld [smem:$0x3F97];
	_ =	swait.ge [sflag:s4], $0x0  }
0x19: {  	s7 =	sld [smem:$0x3F98]  }
0x1a: {  	s8 =	sadd.s32 $0xFFFFE003, lr  }
0x1b: {  	s9 =	sadd.s32 $0xFFFFFEF7, lr;
	s5 =	simm.s32 $0xFFFFFFFF;
	p2 =	slt.u32 s8, $0xFFFFF086  }
0x1c: {  	p1 =	slt.u32 s9, $0xF7A;
	s5 =	simm.s32 @!p2 $0x0  }
0x1d: {  	s5 =	simm.s32 @p1 $0x1;
	p0 =	seq.s32 s7, s2  }
0x1e: {  	s7 =	smul.u32 @!p0 $0xF7A, s2;
	p2 =	seq.s32 @!p0 s5, $0x0  }
0x1f: {  	s9 =	smul.u32 $0xF7A, s1;
	s8 =	simm.s32 @!p0 $0x1BF5;
	p2 =	por !p2, p0  }
0x20: {  	[sflag:s8] =	ssyncset.s32 @!p0 $0xFFFFF086;
	s6 =	sadd.s32 @!p0 s3, s7;
	s7 =	simm.s32 @!p0 $0x108  }
0x21: {  	s3 =	sadd.s32 s3, s9;
	s6 =	sadd.s32 @!p0 $0x88, s6;
	s7 =	simm.s32 @p2 $0x1082  }
0x22: {  	[simem:s7], [sflag:s8] =	dma.local @!p0 [hbm:s6], $0xF7A  }
0x23: {  	s9 =	sor.u32 $0xD0000000, s2;
	s6 =	simm.s32 $0x108;
	_ =	swait.ge @!p0 [sflag:s8], $0x0  }
0x24: {  	s3 =	sadd.s32 $0x88, s3;
	s6 =	simm.s32 @!p1 $0x1082;
	[sflag:s4] =	ssyncset.s32 $0xFFFFF086  }
0x25: {  	[simem:s6], [sflag:s4] =	dma.local [hbm:s3], $0xF7A  }
0x26: {  	[smem:$0x3F98] =	sst s1;
	(tag) =	ssettag s2;
	_ =	strace s9  }
0x27: {  	s1 =	sld [smem:$0x3FA8]  }
0x28: {  	s2 =	sld [smem:$0x3FA9]  }
0x29: {  	s4 =	sld [smem:$0x3FAB]  }
0x2a: {  	p0 =	seq.s32 s5, $0x0;
	s5 =	sld [smem:$0x3FAC]  }
0x2b: {  	s6 =	sld [smem:$0x3FAD]  }
0x2c: {  	s7 =	sld [smem:$0x3FAE]  }
0x2d: {  	s3 =	simm.s32 $0x108;
	s8 =	sld [smem:$0x3FAF]  }
0x2e: {  	s3 =	simm.s32 @!p0 $0x1082;
	s9 =	sld [smem:$0x3FB0]  }
0x2f: {  	lr =	sadd.s32 s0, s3;
	s0 =	sld [smem:$0x3FA7]  }
0x30: {  	s3 =	sld [smem:$0x3FAA]  }
0x31: {  	[smem:$0x3FB3] =	sst s10  }
0x32: {  	s10 =	sld [smem:$0x3FB1];
	_ =	sdelay $0x3  }
0x33: {  	p0 =	seq.s32 s10, $0x1;
	s10 =	sld [smem:$0x3FB3];
	_ =	sdelay $0x3  }
0x34: {  	[smem:$0x3FB3] =	sst s10  }
0x35: {  	s10 =	sld [smem:$0x3FB2];
	_ =	sdelay $0x3  }
0x36: {  	p1 =	seq.s32 s10, $0x1;
	s10 =	sld [smem:$0x3FB3];
	_ =	sdelay $0x3  }
0x37: {  	[smem:$0x3FB3] =	sst s10  }
0x38: {  	s10 =	sld [smem:$0x3FB4]  }
0x39: {  	_ = 	snop;
	(pc) =	sbr.ind lr, $3  }
0x3a: {  	_ = 	snop  }
0x3b: {  	_ = 	snop  }
0x3c: {  	p2 =	seq.s32 s10, $0x1;
	s10 =	sld [smem:$0x3FB3]  }
0x3d: {  	_ =	shalt  }
0x3e: {  	_ =	shalt  }
0x3f: {  	_ =	shalt  }
0x40: {  	_ =	shalt  }
0x41: {  	_ =	shalt  }
0x42: {  	_ =	shalt  }
0x43: {  	_ =	shalt  }
0x44: {  	_ =	shalt  }
0x45: {  	_ =	shalt  }
0x46: {  	_ =	shalt  }
0x47: {  	_ =	shalt  }
0x48: {  	_ =	shalt  }
0x49: {  	_ =	shalt  }
0x4a: {  	_ =	shalt  }
0x4b: {  	_ =	shalt  }
0x4c: {  	_ =	shalt  }
0x4d: {  	_ =	shalt  }
0x4e: {  	_ =	shalt  }
0x4f: {  	_ =	shalt  }
0x50: {  	_ =	shalt  }
0x51: {  	_ =	shalt  }
0x52: {  	_ =	shalt  }
0x53: {  	_ =	shalt  }
0x54: {  	_ =	shalt  }
0x55: {  	_ =	shalt  }
0x56: {  	_ =	shalt  }
0x57: {  	_ =	shalt  }
0x58: {  	_ =	shalt  }
0x59: {  	_ =	shalt  }
0x5a: {  	_ =	shalt  }
0x5b: {  	_ =	shalt  }
0x5c: {  	_ =	shalt  }
0x5d: {  	_ =	shalt  }
0x5e: {  	_ =	shalt  }
0x5f: {  	_ =	shalt  }
0x60: {  	_ =	shalt  }
0x61: {  	_ =	shalt  }
0x62: {  	_ =	shalt  }
0x63: {  	_ =	shalt  }
0x64: {  	_ =	shalt  }
0x65: {  	_ =	shalt  }
0x66: {  	_ =	shalt  }
0x67: {  	_ =	shalt  }
0x68: {  	_ =	shalt  }
0x69: {  	_ =	shalt  }
0x6a: {  	_ =	shalt  }
0x6b: {  	_ =	shalt  }
0x6c: {  	_ =	shalt  }
0x6d: {  	_ =	shalt  }
0x6e: {  	_ =	shalt  }
0x6f: {  	_ =	shalt  }
0x70: {  	_ =	shalt  }
0x71: {  	_ =	shalt  }
0x72: {  	_ =	shalt  }
0x73: {  	_ =	shalt  }
0x74: {  	_ =	shalt  }
0x75: {  	_ =	shalt  }
0x76: {  	_ =	shalt  }
0x77: {  	_ =	shalt  }
0x78: {  	_ =	shalt  }
0x79: {  	_ =	shalt  }
0x7a: {  	_ =	shalt  }
0x7b: {  	_ =	shalt  }
0x7c: {  	_ =	shalt  }
0x7d: {  	_ =	shalt  }
0x7e: {  	_ =	shalt  }
0x7f: {  	_ =	shalt  }
0x80: {  	_ =	shalt  }
0x81: {  	_ =	shalt  }
0x82: {  	_ =	shalt  }
0x83: {  	_ =	shalt  }
0x84: {  	_ =	shalt  }
0x85: {  	_ =	shalt  }
0x86: {  	_ =	shalt  }
0x87: {  	_ =	shalt  }
.Lfunc_end0:
.L_simem_size_0:
called_computation.2_lowered:
.L_overlay_start_0:
0x88: {  	s2 =	sld [smem:$0x3FD9]  }
0x89: {  	s3 =	sld [smem:$0x3FFE];
	_ =	sdelay $0x1  }
0x8a: {  	s1 =	srdreg.scid  }
0x8b: {  	s0 =	sand.u32 $0x1, s1  }
0x8c: {  	s14 =	sshll.u32 s0, $0xA;
	s2 =	sadd.s32 s3, s2  }
0x8d: {  	s2 =	sadd.s32 s2, s14  }
0x8e: {  	[smem:$0x3FBF] =	sst s2  }
0x8f: {  	_ = 	snop  }
0x90: {  	s2 =	sld [smem:$0x3FD0];
	_ =	sdelay $0x2  }
0x91: {  	s15 =	simm.s32 $0xA;
	s4 =	simm.s32 $0x10  }
0x92: {  	[smem:s4], [sflag:s15] =	dma.local [hbm:s2], $0x1  }
0x93: {  	_ =	swait.eq [sflag:s15], $0x1  }
0x94: {  	[sflag:s15] =	ssyncset.done $0x0  }
0x95: {  	[sflag:s15] =	ssyncadd.s32 $0xFFFFFFFF  }
0x96: {  	s16 =	sld [smem:$0x10];
	(tm) =	ssettm $0x1  }
0x97: {  	s17 =	sld [smem:$0x3FFB];
	_ =	sdelay $0x3  }
0x98: {  	_ =	strace s17  }
0x99: {  	s3 =	sld [smem:$0x3FFC];
	_ =	sdelay $0x3  }
0x9a: {  	_ =	strace s3  }
0x9b: {  	s3 =	sld [smem:$0x3FFD];
	_ =	sdelay $0x3  }
0x9c: {  	_ =	strace s3  }
0x9d: {  	_ =	strace $0x8FFFFFFF  }
0x9e: {  	s18 =	sld [smem:$0x3FDB];
	_ =	sdelay $0x1  }
0x9f: {  	s19 =	simm.s32 $_scs_section_size  }
0xa0: {  	s5 =	simm.s32 $_size__tile_overlayer_lowered;
	s6 =	simm.s32 $_tile_overlayer_lowered  }
0xa1: {  	s22 =	simm.s32 $0x1BFF;
	s21 =	sshll.u32 s6, $0x1;
	s3 =	sadd.s32 s19, s18  }
0xa2: {  	s7 =	simm.s32 $0x0;
	s20 =	sshll.u32 s5, $0x1;
	s5 =	sadd.s32 s21, s3  }
0xa3: {  	[timem:s7], [sflag:s22] =	dma.local [hbm:s5], s20  }
0xa4: {  	_ =	swait.ge [sflag:s22], s20  }
0xa5: {  	s4 =	ssub.s32 $0x0, s20;
	[sflag:s22] =	ssyncset.done $0x0  }
0xa6: {  	[sflag:s22] =	ssyncadd.s32 s4;
	_ =	sdelay $0x1  }
0xa7: {  	s23 =	simm.s32 $0x1B8B  }
0xa8: {  	_ =	swait.ge [sflag:s23], $0x1  }
0xa9: {  	[sflag:s23] =	ssyncset.done $0x0  }
0xaa: {  	s25 =	simm.s32 $0x1B8E;
	s24 =	sld [smem:$0x3FFE];
	[sflag:s23] =	ssyncadd.s32 $0xFFFFFFFF  }
0xab: {  	s26 =	simm.s32 $execute0_lowered;
	[smem:$0x3FD2] =	sst s25  }
0xac: {  	s5 =	sshll.u32 s26, $0x1;
	_ =	strace $0x80000049;
	[dreg:$0x1] =	wrdreg $0xFFFFFFFF  }
0xad: {  	s28 =	simm.s32 $_size_execute0_lowered;
	s3 =	sadd.s32 s3, s5;
	[dreg:$0x0] =	wrdreg $0x0  }
0xae: {  	s5 =	sshll.u32 s28, $0x1;
	[dreg:$0x2] =	wrdreg s3  }
0xaf: {  	[dreg:$0x3] =	wrdreg s5  }
0xb0: {  	[dreg:$0x4] =	wrdreg $0xC0  }
0xb1: {  	_ =	task [dreg:s7], $0x5FFFF  }
0xb2: {  	[dreg:$0x1] =	wrdreg $0xFFFFFFFF  }
0xb3: {  	[dreg:$0x0] =	wrdreg $0x60  }
0xb4: {  	[dreg:$0x2] =	wrdreg s16  }
0xb5: {  	[dreg:$0x3] =	wrdreg s24  }
0xb6: {  	[dreg:$0x4] =	wrdreg $0xA8000  }
0xb7: {  	[dreg:$0x5] =	wrdreg $0x9  }
0xb8: {  	_ =	task.clear_ibuf [dreg:s7], $0x6FFFF;
	_ =	strace $0x90000049  }
0xb9: {  	s29 =	simm.s32 $0x9;
	_ =	strace $0x8000004B  }
0xba: {  	_ =	swait.ge [sflag:s29], $0x1  }
0xbb: {  	[sflag:s29] =	ssyncadd.s32 $0xFFFFFFFF  }
0xbc: {  	_ =	strace $0x9000004B  }
0xbd: {  	_ =	sfence  }
0xbe: {  	s30 =	sld [smem:$0x0];
	_ =	sdelay $0x2  }
0xbf: {  	s31 =	sshll.u32 s1, $0xD;
	s1 =	sshrl.u32 s1, $0x2  }
0xc0: {  	s3 =	sand.u32 $0x4000, s31;
	s1 =	sadd.s32 s1, s30  }
0xc1: {  	s0 =	sor.u32 s3, s0;
	s1 =	sshll.u32 s1, $0x11  }
0xc2: {  	s0 =	sor.u32 s1, s0  }
0xc3: {  	s0 =	sadd.s32 $0x8F2B, s0  }
0xc4: {  	[sflag:s0] =	ssyncadd.remote.s32 $0x1  }
0xc5: {  	_ =	sfence.sel $0xFFFF  }
0xc6: {  	[dreg:$0x0] =	wrdreg $0xFFFFFFFF;
	(pc) =	sbr.abs _section_cstart, $3  }
0xc7: {  	[dreg:$0x1] =	wrdreg $0xFFFFFFFF  }
0xc8: {  	_ =	task.clear_ibuf [dreg:s7], $0x2FFFF;
	_ =	strace $0x9FFFFFFF  }
0xc9: {  	(tm) =	ssettm $0x7FFFFFFF  }
tec
execute0_lowered:
.L_overlay_start_1:
0x0: {  	(tag) =	ssettag $0x1  }
0x1: {  	s1 =	rddreg [dreg:$0x0]  }
0x2: {  	s5 =	rddreg [dreg:$0x1]  }
0x3: {  	s2 =	rddreg [dreg:$0x2]  }
0x4: {  	s0 =	rddreg [dreg:$0x3];
	s4 =	srdreg.scid  }
0x5: {  	s3 =	simm.s32 $0x0;
	s9 =	stileid.u32;
	s12 =	simm.s32 $0x50  }
0x6: {  	s13 =	simm.s32 $0x8000;
	s14 =	simm.s32 $0x1;
	s15 =	simm.s32 $0x0  }
0x7: {  	s4 =	sand.u32 $0x1, s4;
	[smem:$0x7FF] =	sst s3;
	s6 =	sshll.u32 s9, $0xC  }
0x8: {  	p0 =	sne.s32 s9, $0x0;
	s9 =	simm.s32 $0x2;
	s7 =	sshll.u32 s4, $0xB  }
0x9: {  	s31 =	smul.u32 $0x27100, s4;
	s8 =	ssub.s32 $0x2, s4;
	_ =	strace $0x8000004A  }
0xa: {  	s4 =	sadd.s32 $0x2C800, s5;
	s11 =	sshrl.u32 @!p0 s2, $0x3;
	s6 =	sor.u32 s7, s6  }
0xb: {  	s10 =	sshrl.u32 s8, $0x1;
	s6 =	sadd.s32 s6, s5;
	s7 =	sadd.s32 s31, s5  }
0xc: {  	s8 =	ssub.s32 s8, s10;
	s10 =	simm.s32 $0x4000;
	s5 =	sadd.s32 $0xC800, s6  }
0xd: {  	s6 =	sadd.s32 $0x1C800, s6;
	s7 =	sadd.s32 $0x53A00, s7;
	s8 =	smax.u32 s8, $0x1  }
.LBB2_1:
0xe: {  	[tilespmem:s3], [sflag:$0x2] =	stream.linear.gather [hbm4b:s5+s3], $0x3E80, $0x38;
	[tilespmem:$0x1E080] =	vst v63  }
0xf: {  	_ =	swait.ge [sflag:s9], $0x3E80  }
0x10: {  	[sflag:s9] =	ssyncset.done $0x0  }
0x11: {  	[sflag:s9] =	ssyncadd.s32 $0xFFFFC180  }
0x12: {  	[tilespmem:s10], [sflag:$0x2] =	stream.linear.gather [hbm4b:s6+s3], $0x3E80, $0x38;
	[tilespmem:$0x1E080] =	vst v63  }
0x13: {  	_ =	swait.ge [sflag:s9], $0x3E80  }
0x14: {  	[sflag:s9] =	ssyncset.done $0x0  }
0x15: {  	s16 =	simm.s32 @!p0 $0x1C02;
	[sflag:s9] =	ssyncadd.s32 $0xFFFFC180  }
0x16: {  	[spmem:s11], [sflag:s16] =	dma.local @!p0 [hbm:s4], $0x27100  }
0x17: {  	s16 =	simm.s32 @!p0 $0x2  }
0x18: {  	_ =	swait.ge @!p0 [sflag:s16], $0x27100  }
0x19: {  	[sflag:s16] =	ssyncset.done @!p0 $0x0  }
0x1a: {  	[sflag:s16] =	ssyncadd.s32 @!p0 $0xFFFD8F00  }
0x1b: {  	s30 =	simm.s32 $0x0;
	[bflag:$0x0] =	sbarrier.arrive $0xFFFF  }
0x1c: {  	[tilespmem:s13], [sflag:$0x1] =	stream.indirect.gather [hbm4b:s1+s12], $0x80, s30, s12, $0xb8;
	[tilespmem:$0x1E080] =	vst v63  }
0x1d: {  	_ =	swait.ge [sflag:s14], $0x2800  }
0x1e: {  	[sflag:s14] =	ssyncset.done $0x0  }
0x1f: {  	s31 =	simm.s32 $0x4000;
	[sflag:s14] =	ssyncadd.s32 $0xFFFFD800  }
0x20: {  	[spmem:s2] =	stream.indirect.scatter.add.f32 [tilespmem:s13], [sflag:$0x2], $0x80, s31, s12, $0xb8;
	[tilespmem:$0x1E080] =	vst v63  }
0x21: {  	_ =	swait.ge [sflag:s9], $0x2800  }
0x22: {  	s17 =	simm.s32 $0x400;
	s16 =	simm.s32 $0x200;
	[sflag:s9] =	ssyncset.done $0x0  }
.LBB2_2:
0x23: {  	s18 =	sshra.s32 s16, $0x2  }
0x24: {  	[sflag:s9] =	ssyncadd.s32 $0xFFFFD800;
	s16 =	smov.u32 s17;
	s19 =	sadd.s32 $0x200, s17  }
0x25: {  	[tilespmem:s13], [sflag:$0x1] =	stream.indirect.gather [hbm4b:s1+s12], $0x80, s18, s12, $0xb8;
	[tilespmem:$0x1E080] =	vst v63  }
0x26: {  	p1 =	sne.s32 s17, $0xF800;
	_ =	swait.ge [sflag:s14], $0x2800  }
.Ltmp0:
0x27: {  	[sflag:s14] =	ssyncset.done $0x0;
	(pc) =	sbr.rel @p1 .LBB2_2-.Ltmp0, $4  }
0x28: {  	s17 =	sadd.s32 $0x4000, s18;
	[sflag:s14] =	ssyncadd.s32 $0xFFFFD800  }
0x29: {  	[spmem:s2] =	stream.indirect.scatter.add.f32 [tilespmem:s13], [sflag:$0x2], $0x80, s17, s12, $0xb8;
	[tilespmem:$0x1E080] =	vst v63  }
0x2a: {  	_ =	swait.ge [sflag:s9], $0x2800  }
0x2b: {  	s17 =	smov.u32 s19;
	[sflag:s9] =	ssyncset.done $0x0  }
0x2c: {  	s16 =	sshra.s32 s16, $0x2;
	[sflag:s9] =	ssyncadd.s32 $0xFFFFD800  }
0x2d: {  	[tilespmem:s13], [sflag:$0x1] =	stream.indirect.gather [hbm4b:s1+s12], $0x80, s16, s12, $0xb8;
	[tilespmem:$0x1E080] =	vst v63  }
0x2e: {  	_ =	swait.ge [sflag:s14], $0x2800  }
0x2f: {  	[sflag:s14] =	ssyncset.done $0x0  }
0x30: {  	s16 =	sadd.s32 $0x4000, s16;
	[sflag:s14] =	ssyncadd.s32 $0xFFFFD800  }
0x31: {  	[spmem:s2] =	stream.indirect.scatter.add.f32 [tilespmem:s13], [sflag:$0x2], $0x80, s16, s12, $0xb8;
	[tilespmem:$0x1E080] =	vst v63  }
0x32: {  	_ =	swait.ge [sflag:s9], $0x2800  }
0x33: {  	[sflag:s9] =	ssyncset.done $0x0  }
0x34: {  	s15 =	sadd.s32 $0x1, s15;
	[sflag:s9] =	ssyncadd.s32 $0xFFFFD800  }
0x35: {  	p1 =	sne.s32 s15, s8;
	s16 =	simm.s32 @!p0 $0x1C02;
	[bflag:$0x0] =	sbarrier.arrive $0xFFFF  }
0x36: {  	[hbm:s7], [sflag:s16] =	dma.local @!p0 [spmem:s11], $0x27100  }
.Ltmp1:
0x37: {  	_ = 	snop;
	(pc) =	sbr.rel @p1 .LBB2_1-.Ltmp1, $4  }
0x38: {  	s16 =	simm.s32 @!p0 $0x2  }
0x39: {  	_ =	swait.ge @!p0 [sflag:s16], $0x27100  }
0x3a: {  	[sflag:s16] =	ssyncset.done @!p0 $0x0  }
0x3b: {  	[sflag:s16] =	ssyncadd.s32 @!p0 $0xFFFD8F00  }
0x3c: {  	_ =	sfence.sel $0x180000  }
0x3d: {  	[bflag:$0x0] =	sbarrier.arrive $0xFFFF  }
0x3e: {  	_ =	strace $0x9000004A  }
0x3f: {  	s0 =	sadd.s32 @!p0 $0x100000, s0;
	[bflag:$0x2] =	sbarrier.arrive $0xFFFF  }
0x40: {  	[sflag:s0] =	ssyncadd.tile.s32 @!p0 $0x1;
	_ =	shalt  }
.Lfunc_end2:
_tile_overlayer_lowered:
.L_overlay_start_2:
0x41: {  	(tag) =	ssettag $0x2  }
0x42: {  	s0 =	rddreg [dreg:$0x0];
	s2 =	stileid.u32  }
0x43: {  	s1 =	rddreg [dreg:$0x1];
	p0 =	sne.s32 s2, $0x0  }
0x44: {  	s3 =	rddreg [dreg:$0x2];
	[bflag:$0x3] =	sbarrier.arrive $0xFFFF;
	s2 =	simm.s32 @!p0 $0x1C02  }
0x45: {  	[timem:s3], [sflag:s2] =	dma.local @!p0 [hbm:s0], s1  }
0x46: {  	s0 =	simm.s32 @!p0 $0x2  }
0x47: {  	_ =	swait.ge @!p0 [sflag:s0], s1  }
0x48: {  	s1 =	ssub.s32 @!p0 $0x0, s1;
	[sflag:s0] =	ssyncset.done @!p0 $0x0  }
0x49: {  	[sflag:s0] =	ssyncadd.s32 @!p0 s1  }
0x4a: {  	[bflag:$0x3] =	sbarrier.arrive $0xFFFF  }
0x4b: {  	_ =	shalt  }

// kernel: kernel.8.cloned.1.call-start
scs
__scs_entry_jumppad:
0x0: {  	(pc) =	sbr.rel $0x88, $3  }
0x1: {  	(tag) =	ssettag $0x0;
	lr =	simm.s32 $0x1  }
0x2: {  	[smem:$0x3F98] =	sst lr;
	_ =	strace $0xD0000000  }
0x3: {  	_ = 	snop  }
0x4: {  	_ = 	snop  }
0x5: {  	_ = 	snop  }
0x6: {  	_ = 	snop  }
0x7: {  	_ = 	snop  }
__scs_overlays_trampoline_lowered:
0x8: {  	[smem:$0x3FA7] =	sst s0  }
0x9: {  	[smem:$0x3FA8] =	sst s1  }
0xa: {  	[smem:$0x3FA9] =	sst s2  }
0xb: {  	[smem:$0x3FAA] =	sst s3  }
0xc: {  	[smem:$0x3FAB] =	sst s4  }
0xd: {  	[smem:$0x3FAC] =	sst s5  }
0xe: {  	[smem:$0x3FAD] =	sst s6  }
0xf: {  	[smem:$0x3FAE] =	sst s7  }
0x10: {  	[smem:$0x3FAF] =	sst s8  }
0x11: {  	[smem:$0x3FB0] =	sst s9;
	s0 =	simm.s32 @!p0 $0x0  }
0x12: {  	s1 =	sld [smem:$0x3F96];
	s0 =	simm.s32 @p0 $0x1  }
0x13: {  	[smem:$0x3FB1] =	sst s0;
	s0 =	simm.s32 @!p1 $0x0  }
0x14: {  	s2 =	sld [smem:$0x3F95];
	s0 =	simm.s32 @p1 $0x1  }
0x15: {  	[smem:$0x3FB2] =	sst s0;
	s0 =	simm.s32 @!p2 $0x0  }
0x16: {  	s3 =	sld [smem:$0x3FDB];
	s0 =	simm.s32 @p2 $0x1  }
0x17: {  	s4 =	simm.s32 $0x1BF5;
	[smem:$0x3FB4] =	sst s0  }
0x18: {  	s0 =	sld [smem:$0x3F97];
	_ =	swait.ge [sflag:s4], $0x0  }
0x19: {  	s7 =	sld [smem:$0x3F98]  }
0x1a: {  	s8 =	sadd.s32 $0xFFFFE003, lr  }
0x1b: {  	s9 =	sadd.s32 $0xFFFFFEF7, lr;
	s5 =	simm.s32 $0xFFFFFFFF;
	p2 =	slt.u32 s8, $0xFFFFF086  }
0x1c: {  	p1 =	slt.u32 s9, $0xF7A;
	s5 =	simm.s32 @!p2 $0x0  }
0x1d: {  	s5 =	simm.s32 @p1 $0x1;
	p0 =	seq.s32 s7, s2  }
0x1e: {  	s7 =	smul.u32 @!p0 $0xF7A, s2;
	p2 =	seq.s32 @!p0 s5, $0x0  }
0x1f: {  	s9 =	smul.u32 $0xF7A, s1;
	s8 =	simm.s32 @!p0 $0x1BF5;
	p2 =	por !p2, p0  }
0x20: {  	[sflag:s8] =	ssyncset.s32 @!p0 $0xFFFFF086;
	s6 =	sadd.s32 @!p0 s3, s7;
	s7 =	simm.s32 @!p0 $0x108  }
0x21: {  	s3 =	sadd.s32 s3, s9;
	s6 =	sadd.s32 @!p0 $0x88, s6;
	s7 =	simm.s32 @p2 $0x1082  }
0x22: {  	[simem:s7], [sflag:s8] =	dma.local @!p0 [hbm:s6], $0xF7A  }
0x23: {  	s9 =	sor.u32 $0xD0000000, s2;
	s6 =	simm.s32 $0x108;
	_ =	swait.ge @!p0 [sflag:s8], $0x0  }
0x24: {  	s3 =	sadd.s32 $0x88, s3;
	s6 =	simm.s32 @!p1 $0x1082;
	[sflag:s4] =	ssyncset.s32 $0xFFFFF086  }
0x25: {  	[simem:s6], [sflag:s4] =	dma.local [hbm:s3], $0xF7A  }
0x26: {  	[smem:$0x3F98] =	sst s1;
	(tag) =	ssettag s2;
	_ =	strace s9  }
0x27: {  	s1 =	sld [smem:$0x3FA8]  }
0x28: {  	s2 =	sld [smem:$0x3FA9]  }
0x29: {  	s4 =	sld [smem:$0x3FAB]  }
0x2a: {  	p0 =	seq.s32 s5, $0x0;
	s5 =	sld [smem:$0x3FAC]  }
0x2b: {  	s6 =	sld [smem:$0x3FAD]  }
0x2c: {  	s7 =	sld [smem:$0x3FAE]  }
0x2d: {  	s3 =	simm.s32 $0x108;
	s8 =	sld [smem:$0x3FAF]  }
0x2e: {  	s3 =	simm.s32 @!p0 $0x1082;
	s9 =	sld [smem:$0x3FB0]  }
0x2f: {  	lr =	sadd.s32 s0, s3;
	s0 =	sld [smem:$0x3FA7]  }
0x30: {  	s3 =	sld [smem:$0x3FAA]  }
0x31: {  	[smem:$0x3FB3] =	sst s10  }
0x32: {  	s10 =	sld [smem:$0x3FB1];
	_ =	sdelay $0x3  }
0x33: {  	p0 =	seq.s32 s10, $0x1;
	s10 =	sld [smem:$0x3FB3];
	_ =	sdelay $0x3  }
0x34: {  	[smem:$0x3FB3] =	sst s10  }
0x35: {  	s10 =	sld [smem:$0x3FB2];
	_ =	sdelay $0x3  }
0x36: {  	p1 =	seq.s32 s10, $0x1;
	s10 =	sld [smem:$0x3FB3];
	_ =	sdelay $0x3  }
0x37: {  	[smem:$0x3FB3] =	sst s10  }
0x38: {  	s10 =	sld [smem:$0x3FB4]  }
0x39: {  	_ = 	snop;
	(pc) =	sbr.ind lr, $3  }
0x3a: {  	_ = 	snop  }
0x3b: {  	_ = 	snop  }
0x3c: {  	p2 =	seq.s32 s10, $0x1;
	s10 =	sld [smem:$0x3FB3]  }
0x3d: {  	_ =	shalt  }
0x3e: {  	_ =	shalt  }
0x3f: {  	_ =	shalt  }
0x40: {  	_ =	shalt  }
0x41: {  	_ =	shalt  }
0x42: {  	_ =	shalt  }
0x43: {  	_ =	shalt  }
0x44: {  	_ =	shalt  }
0x45: {  	_ =	shalt  }
0x46: {  	_ =	shalt  }
0x47: {  	_ =	shalt  }
0x48: {  	_ =	shalt  }
0x49: {  	_ =	shalt  }
0x4a: {  	_ =	shalt  }
0x4b: {  	_ =	shalt  }
0x4c: {  	_ =	shalt  }
0x4d: {  	_ =	shalt  }
0x4e: {  	_ =	shalt  }
0x4f: {  	_ =	shalt  }
0x50: {  	_ =	shalt  }
0x51: {  	_ =	shalt  }
0x52: {  	_ =	shalt  }
0x53: {  	_ =	shalt  }
0x54: {  	_ =	shalt  }
0x55: {  	_ =	shalt  }
0x56: {  	_ =	shalt  }
0x57: {  	_ =	shalt  }
0x58: {  	_ =	shalt  }
0x59: {  	_ =	shalt  }
0x5a: {  	_ =	shalt  }
0x5b: {  	_ =	shalt  }
0x5c: {  	_ =	shalt  }
0x5d: {  	_ =	shalt  }
0x5e: {  	_ =	shalt  }
0x5f: {  	_ =	shalt  }
0x60: {  	_ =	shalt  }
0x61: {  	_ =	shalt  }
0x62: {  	_ =	shalt  }
0x63: {  	_ =	shalt  }
0x64: {  	_ =	shalt  }
0x65: {  	_ =	shalt  }
0x66: {  	_ =	shalt  }
0x67: {  	_ =	shalt  }
0x68: {  	_ =	shalt  }
0x69: {  	_ =	shalt  }
0x6a: {  	_ =	shalt  }
0x6b: {  	_ =	shalt  }
0x6c: {  	_ =	shalt  }
0x6d: {  	_ =	shalt  }
0x6e: {  	_ =	shalt  }
0x6f: {  	_ =	shalt  }
0x70: {  	_ =	shalt  }
0x71: {  	_ =	shalt  }
0x72: {  	_ =	shalt  }
0x73: {  	_ =	shalt  }
0x74: {  	_ =	shalt  }
0x75: {  	_ =	shalt  }
0x76: {  	_ =	shalt  }
0x77: {  	_ =	shalt  }
0x78: {  	_ =	shalt  }
0x79: {  	_ =	shalt  }
0x7a: {  	_ =	shalt  }
0x7b: {  	_ =	shalt  }
0x7c: {  	_ =	shalt  }
0x7d: {  	_ =	shalt  }
0x7e: {  	_ =	shalt  }
0x7f: {  	_ =	shalt  }
0x80: {  	_ =	shalt  }
0x81: {  	_ =	shalt  }
0x82: {  	_ =	shalt  }
0x83: {  	_ =	shalt  }
0x84: {  	_ =	shalt  }
0x85: {  	_ =	shalt  }
0x86: {  	_ =	shalt  }
0x87: {  	_ =	shalt  }
.Lfunc_end0:
.L_simem_size_0:
called_computation.1_lowered:
.L_overlay_start_0:
0x88: {  	s2 =	sld [smem:$0x3FD9]  }
0x89: {  	s3 =	sld [smem:$0x3FFE];
	_ =	sdelay $0x1  }
0x8a: {  	s1 =	srdreg.scid  }
0x8b: {  	s0 =	sand.u32 $0x1, s1  }
0x8c: {  	s14 =	sshll.u32 s0, $0xA;
	s2 =	sadd.s32 s3, s2  }
0x8d: {  	s2 =	sadd.s32 s2, s14  }
0x8e: {  	[smem:$0x3FBF] =	sst s2  }
0x8f: {  	_ = 	snop  }
0x90: {  	s2 =	sld [smem:$0x3FD0];
	_ =	sdelay $0x2  }
0x91: {  	s15 =	simm.s32 $0xA;
	s4 =	simm.s32 $0x10  }
0x92: {  	[smem:s4], [sflag:s15] =	dma.local [hbm:s2], $0x1  }
0x93: {  	_ =	swait.eq [sflag:s15], $0x1  }
0x94: {  	[sflag:s15] =	ssyncset.done $0x0  }
0x95: {  	[sflag:s15] =	ssyncadd.s32 $0xFFFFFFFF  }
0x96: {  	s16 =	sld [smem:$0x10];
	(tm) =	ssettm $0x1  }
0x97: {  	s17 =	sld [smem:$0x3FFB];
	_ =	sdelay $0x3  }
0x98: {  	_ =	strace s17  }
0x99: {  	s3 =	sld [smem:$0x3FFC];
	_ =	sdelay $0x3  }
0x9a: {  	_ =	strace s3  }
0x9b: {  	s3 =	sld [smem:$0x3FFD];
	_ =	sdelay $0x3  }
0x9c: {  	_ =	strace s3  }
0x9d: {  	_ =	strace $0x8FFFFFFF  }
0x9e: {  	s18 =	sld [smem:$0x3FDB];
	_ =	sdelay $0x1  }
0x9f: {  	s19 =	simm.s32 $_scs_section_size  }
0xa0: {  	s5 =	simm.s32 $_size__tile_overlayer_lowered;
	s6 =	simm.s32 $_tile_overlayer_lowered  }
0xa1: {  	s22 =	simm.s32 $0x1BFF;
	s21 =	sshll.u32 s6, $0x1;
	s3 =	sadd.s32 s19, s18  }
0xa2: {  	s7 =	simm.s32 $0x0;
	s20 =	sshll.u32 s5, $0x1;
	s5 =	sadd.s32 s21, s3  }
0xa3: {  	[timem:s7], [sflag:s22] =	dma.local [hbm:s5], s20  }
0xa4: {  	_ =	swait.ge [sflag:s22], s20  }
0xa5: {  	s4 =	ssub.s32 $0x0, s20;
	[sflag:s22] =	ssyncset.done $0x0  }
0xa6: {  	[sflag:s22] =	ssyncadd.s32 s4;
	_ =	sdelay $0x1  }
0xa7: {  	s23 =	simm.s32 $0x1B8B  }
0xa8: {  	_ =	swait.ge [sflag:s23], $0x1  }
0xa9: {  	[sflag:s23] =	ssyncset.done $0x0  }
0xaa: {  	s25 =	simm.s32 $0x1B8E;
	s24 =	sld [smem:$0x3FFE];
	[sflag:s23] =	ssyncadd.s32 $0xFFFFFFFF  }
0xab: {  	s26 =	simm.s32 $execute0_lowered;
	[smem:$0x3FD2] =	sst s25  }
0xac: {  	s5 =	sshll.u32 s26, $0x1;
	_ =	strace $0x80000046;
	[dreg:$0x1] =	wrdreg $0xFFFFFFFF  }
0xad: {  	s28 =	simm.s32 $_size_execute0_lowered;
	s3 =	sadd.s32 s3, s5;
	[dreg:$0x0] =	wrdreg $0x0  }
0xae: {  	s5 =	sshll.u32 s28, $0x1;
	[dreg:$0x2] =	wrdreg s3  }
0xaf: {  	[dreg:$0x3] =	wrdreg s5  }
0xb0: {  	[dreg:$0x4] =	wrdreg $0xC0  }
0xb1: {  	_ =	task [dreg:s7], $0x5FFFF  }
0xb2: {  	[dreg:$0x1] =	wrdreg $0xFFFFFFFF  }
0xb3: {  	[dreg:$0x0] =	wrdreg $0x60  }
0xb4: {  	[dreg:$0x2] =	wrdreg s24  }
0xb5: {  	[dreg:$0x3] =	wrdreg s16  }
0xb6: {  	[dreg:$0x4] =	wrdreg $0x9  }
0xb7: {  	_ =	task.clear_ibuf [dreg:s7], $0x5FFFF;
	_ =	strace $0x90000046  }
0xb8: {  	s29 =	simm.s32 $0x9;
	_ =	strace $0x80000048  }
0xb9: {  	_ =	swait.ge [sflag:s29], $0x1  }
0xba: {  	[sflag:s29] =	ssyncadd.s32 $0xFFFFFFFF  }
0xbb: {  	_ =	strace $0x90000048  }
0xbc: {  	_ =	sfence  }
0xbd: {  	s30 =	sld [smem:$0x0];
	_ =	sdelay $0x2  }
0xbe: {  	s31 =	sshll.u32 s1, $0xD;
	s1 =	sshrl.u32 s1, $0x2  }
0xbf: {  	s3 =	sand.u32 $0x4000, s31;
	s1 =	sadd.s32 s1, s30  }
0xc0: {  	s0 =	sor.u32 s3, s0;
	s1 =	sshll.u32 s1, $0x11  }
0xc1: {  	s0 =	sor.u32 s1, s0  }
0xc2: {  	s0 =	sadd.s32 $0x8F2B, s0  }
0xc3: {  	[sflag:s0] =	ssyncadd.remote.s32 $0x1  }
0xc4: {  	_ =	sfence.sel $0xFFFF  }
0xc5: {  	[dreg:$0x0] =	wrdreg $0xFFFFFFFF;
	(pc) =	sbr.abs _section_cstart, $3  }
0xc6: {  	[dreg:$0x1] =	wrdreg $0xFFFFFFFF  }
0xc7: {  	_ =	task.clear_ibuf [dreg:s7], $0x2FFFF;
	_ =	strace $0x9FFFFFFF  }
0xc8: {  	(tm) =	ssettm $0x7FFFFFFF  }
0xc9: {  	_ =	shalt  }
tec
execute0_lowered:
.L_overlay_start_1:
0x0: {  	(tag) =	ssettag $0x1  }
0x1: {  	s3 =	rddreg [dreg:$0x0]  }
0x2: {  	s1 =	srdreg.scid;
	s0 =	stileid.u32  }
0x3: {  	s4 =	rddreg [dreg:$0x1];
	s9 =	simm.s32 $0x400;
	s10 =	simm.s32 $0x0  }
0x4: {  	s5 =	sand.u32 $0x1, s1;
	s2 =	sshll.u32 s0, $0x1;
	s1 =	rddreg [dreg:$0x2]  }
0x5: {  	s7 =	sshrl.u32 s0, $0x2;
	s6 =	sor.u32 s5, s2;
	s2 =	simm.s32 $0x0  }
0x6: {  	s7 =	smul.u32 $0x13C00, s7;
	s5 =	ssub.s32 $0x2, s5;
	s8 =	sshll.u32 s6, $0x7  }
0x7: {  	[smem:$0x7FF] =	sst s2;
	s6 =	smul.u32 $0x4E2, s6;
	s31 =	sshrl.u32 s5, $0x1  }
0x8: {  	s8 =	sand.u32 $0x380, s8;
	_ =	strace $0x80000047;
	s5 =	ssub.s32 s5, s31  }
0x9: {  	s7 =	sor.u32 s7, s8;
	s3 =	sadd.s32 s6, s3;
	s5 =	smax.u32 s5, $0x1  }
0xa: {  	s6 =	simm.s32 $0x1;
	s8 =	simm.s32 $0x80;
	s7 =	sshrl.u32 s7, $0x3  }
0xb: {  	v0 =	vimm.f32 $0.0e+00;
	v1 =	vimm.f32 $1.000000000e+00;
	s3 =	sadd.s32 $0x2A00, s3;
	s4 =	sadd.s32 s4, s7;
	s7 =	simm.s32 $0x2780  }
.LBB2_1:
0xc: {  	[tilespmem:s2], [sflag:$0x1] =	stream.linear.gather [hbm4b:s3+s2], $0x2710, $0x38;
	[tilespmem:$0x4F00] =	vst v63  }
0xd: {  	_ =	swait.ge [sflag:s6], $0x2710  }
0xe: {  	[sflag:s6] =	ssyncset.done $0x0  }
0xf: {  	s11 =	simm.s32 $0x0;
	[sflag:s6] =	ssyncadd.s32 $0xFFFFD8F0  }
.LBB2_2:
0x10: {  	p0 =	sne.s32 s11, $0x9C00  }
.Ltmp0:
0x11: {  	_ = 	snop;
	(pc) =	sbr.rel @p0 .LBB2_2-.Ltmp0, $3  }
0x12: {  	_ =	sdelay $0x1  }
0x13: {  	s12 =	sshra.s32 s11, $0x2  }
0x14: {  	s11 =	sadd.s32 $0x40, s11;
	[tilespmem:s12+$0x2780] =	vst v0  }
0x15: {  	s12 =	simm.s32 $0x0;
	s11 =	simm.s32 $0x40  }
.LBB2_4:
0x16: {  	p0 =	sne.s32 s11, $0x9C00;
	v2 =	vld [tilespmem:s12+$0x0];
	_ =	sdelay $0x3  }
.Ltmp1:
0x17: {  	(pc) =	sbr.rel @p0 .LBB2_4-.Ltmp1, $2  }
0x18: {  	_ =	sdelay $0x2  }
0x19: {  	s12 =	sshra.s32 s11, $0x2;
	s11 =	sadd.s32 $0x40, s11;
	[tilespmem:v2+s7+$0x0] =	vst.idx.add.f32.msk $0xffff, v1  }
0x1a: {  	v2 =	vld [tilespmem:s12+$0x0];
	_ =	sdelay $0x5  }
0x1b: {  	s10 =	sadd.s32 $0x1, s10  }
0x1c: {  	p0 =	sne.s32 s10, s5  }
.Ltmp2:
0x1d: {  	[tilespmem:v2+s7+$0x0] =	vst.idx.add.f32.msk $0xffff, v1;
	(pc) =	sbr.rel @p0 .LBB2_1-.Ltmp2, $4  }
0x1e: {  	[hbm4b:s4+s8] =	stream.strided.scatter [tilespmem:s7], [sflag:$0x1], $0x2780, s9, s8, $0x38;
	[tilespmem:$0x4F00] =	vst v63  }
0x1f: {  	_ =	swait.ge [sflag:s6], $0x2780  }
0x20: {  	[sflag:s6] =	ssyncset.done $0x0  }
0x21: {  	[sflag:s6] =	ssyncadd.s32 $0xFFFFD880  }
0x22: {  	_ =	sfence.sel $0x180000  }
0x23: {  	[bflag:$0x0] =	sbarrier.arrive $0xFFFF  }
0x24: {  	p0 =	sne.s32 s0, $0x0;
	_ =	strace $0x90000047  }
0x25: {  	s0 =	sadd.s32 @!p0 $0x100000, s1;
	[bflag:$0x2] =	sbarrier.arrive $0xFFFF  }
0x26: {  	[sflag:s0] =	ssyncadd.tile.s32 @!p0 $0x1;
	_ =	shalt  }
.Lfunc_end2:
_tile_overlayer_lowered:
.L_overlay_start_2:
0x27: {  	(tag) =	ssettag $0x2  }
0x28: {  	s0 =	rddreg [dreg:$0x0];
	s2 =	stileid.u32  }
0x29: {  	s1 =	rddreg [dreg:$0x1];
	p0 =	sne.s32 s2, $0x0  }
0x2a: {  	s3 =	rddreg [dreg:$0x2];
	[bflag:$0x3] =	sbarrier.arrive $0xFFFF;
	s2 =	simm.s32 @!p0 $0x1C01  }
0x2b: {  	[timem:s3], [sflag:s2] =	dma.local @!p0 [hbm:s0], s1  }
0x2c: {  	s0 =	simm.s32 @!p0 $0x1  }
0x2d: {  	_ =	swait.ge @!p0 [sflag:s0], s1  }
0x2e: {  	s1 =	ssub.s32 @!p0 $0x0, s1;
	[sflag:s0] =	ssyncset.done @!p0 $0x0  }
0x2f: {  	[sflag:s0] =	ssyncadd.s32 @!p0 s1  }
0x30: {  	[bflag:$0x3] =	sbarrier.arrive $0xFFFF  }
0x31: {  	_ =	shalt  }

</sc_bundles>
